<compile_context>
chip_gen: v7x
topology: tpu7x:2x2x1
jax: 0.10.2.dev20260603
libtpu: 0.0.44.dev20260713+nightly
codegen_flags: <defaults>
</compile_context>

<pallas_src>
import functools

import jax
import jax.numpy as jnp
from jax import lax
from jax.experimental import pallas as pl
from jax.experimental.pallas import tpu as pltpu
from jax.experimental.pallas import tpu_sc as plsc

NUM_LEVELS_ = 65536
ROWS_T = 200
COLS_T = 16384
NW = 32
UNIT = 2048
UNITS_PER_ROW = COLS_T // UNIT
N_UNITS = ROWS_T * UNITS_PER_ROW
PER_W = N_UNITS // NW
N_PAIRS = PER_W // 2
LANES = 16


def _sc_body(x_hbm, noise_hbm, gs_hbm, out_hbm, table,
             xb0, xb1, nb0, nb1, ob0, ob1,
             sem_t, sem_x0, sem_x1, sem_n0, sem_n1, sem_o0, sem_o1):
    xb = (xb0, xb1)
    nb = (nb0, nb1)
    ob = (ob0, ob1)
    wid = lax.axis_index("s") * 2 + lax.axis_index("c")
    base = wid * PER_W
    sx = (sem_x0, sem_x1)
    sn = (sem_n0, sem_n1)
    so = (sem_o0, sem_o1)

    def slab(k):
        uid = base + k
        return uid // UNITS_PER_ROW, (uid % UNITS_PER_ROW) * UNIT

    cp_t = pltpu.async_copy(gs_hbm, table, sem_t)

    def start_in(k, b):
        r, c = slab(k)
        pltpu.async_copy(x_hbm.at[r, pl.ds(c, UNIT)], xb[b], sx[b])
        pltpu.async_copy(noise_hbm.at[r, pl.ds(c, UNIT)], nb[b], sn[b])

    start_in(0, 0)
    start_in(1, 1)

    cp_t.wait()
    smin = table[pl.ds(0, LANES)][0]
    smax = table[pl.ds(NUM_LEVELS_ - LANES, LANES)][LANES - 1]
    inv_range = 1.0 / jnp.full((LANES,), smax - smin, jnp.float32)
    c0 = -smin * inv_range

    def pair_body(g, _):
        for b in range(2):
            k = 2 * g + b
            r, c = slab(k)
            xr, nr, orr = xb[b], nb[b], ob[b]
            pltpu.make_async_copy(x_hbm.at[r, pl.ds(c, UNIT)], xr, sx[b]).wait()
            pltpu.make_async_copy(noise_hbm.at[r, pl.ds(c, UNIT)], nr, sn[b]).wait()

            @pl.when(g > 0)
            def _():
                pltpu.make_async_copy(orr, out_hbm.at[r, pl.ds(c, UNIT)], so[b]).wait()

            @plsc.parallel_loop(0, UNIT, step=LANES, unroll=16)
            def _inner(s):
                xs = xr[pl.ds(s, LANES)]
                ns = nr[pl.ds(s, LANES)]
                t = xs * float(NUM_LEVELS_ - 1)
                ii = t.astype(jnp.int32)
                ic = jnp.minimum(ii + 1, NUM_LEVELS_ - 1)
                alpha = t - ii.astype(jnp.float32)
                vf = plsc.load_gather(table, [ii])
                vc = plsc.load_gather(table, [ic])
                sv = vf + alpha * (vc - vf)
                orr[pl.ds(s, LANES)] = sv * inv_range + ns * 0.03 + c0

            pltpu.async_copy(orr, out_hbm.at[r, pl.ds(c, UNIT)], so[b])

            @pl.when(g < N_PAIRS - 1)
            def _():
                start_in(k + 2, b)
        return 0

    lax.fori_loop(0, N_PAIRS, pair_body, 0)
    r0, c0_ = slab(0)
    for b in range(2):
        pltpu.make_async_copy(ob[b], out_hbm.at[r0, pl.ds(c0_, UNIT)], so[b]).wait()


@jax.jit
def _sc_call(xt, noiset, gs):
    mesh = plsc.VectorSubcoreMesh(core_axis_name="c", subcore_axis_name="s")
    return pl.kernel(
        _sc_body,
        out_type=jax.ShapeDtypeStruct((ROWS_T, COLS_T), jnp.float32),
        mesh=mesh,
        compiler_params=pltpu.CompilerParams(
            needs_layout_passes=False, use_tc_tiling_on_sc=True),
        scratch_types=[
            pltpu.VMEM((NUM_LEVELS_,), jnp.float32),
            pltpu.VMEM((UNIT,), jnp.float32),
            pltpu.VMEM((UNIT,), jnp.float32),
            pltpu.VMEM((UNIT,), jnp.float32),
            pltpu.VMEM((UNIT,), jnp.float32),
            pltpu.VMEM((UNIT,), jnp.float32),
            pltpu.VMEM((UNIT,), jnp.float32),
            pltpu.SemaphoreType.DMA,
            pltpu.SemaphoreType.DMA,
            pltpu.SemaphoreType.DMA,
            pltpu.SemaphoreType.DMA,
            pltpu.SemaphoreType.DMA,
            pltpu.SemaphoreType.DMA,
            pltpu.SemaphoreType.DMA,
        ],
    )(xt, noiset, gs)


def kernel(x, good_sensor, noise):
    return _sc_call(x.T, noise.T, good_sensor).T

# --- scband reference (transcript-rebuilt; emitter-appended) ---
"""Pipeline reference for scband-linearized-channel-3599182594064 (READ-ONLY COPY).

The authoritative reference and input builder live on the scoring server;
editing this copy changes nothing except your own understanding.
"""

import jax, jax.numpy as jnp
import numpy as np

NUM_LEVELS = 65536


def setup_inputs(seed: int = 0) -> dict:
    key = jax.random.key(seed)
    k1, k2, k3 = jax.random.split(key, 3)
    x = jax.random.uniform(k1, (16384, 200), dtype=jnp.float32)
    # sensor_values from the linearization map: monotonically increasing sensor readings
    good_sensor = jnp.sort(jax.random.uniform(k2, (NUM_LEVELS,), dtype=jnp.float32) * 4095.0)
    # torch.randn_like(x) noise, materialized here for determinism
    noise = jax.random.normal(k3, (16384, 200), dtype=jnp.float32)
    return {"x": x, "good_sensor": good_sensor, "noise": noise}


def reference(x, good_sensor, noise):
    num_levels = good_sensor.shape[0]
    sensor_min = good_sensor.min()
    sensor_max = good_sensor.max()
    noise_std = (sensor_max - sensor_min) * 0.03

    idx_cont = x * (num_levels - 1)
    idx_floor = jnp.clip(jnp.floor(idx_cont).astype(jnp.int32), 0, num_levels - 1)
    idx_ceil = jnp.clip(idx_floor + 1, 0, num_levels - 1)
    alpha = idx_cont - idx_floor.astype(jnp.float32)

    val_floor = jnp.take(good_sensor, idx_floor, axis=0)
    val_ceil = jnp.take(good_sensor, idx_ceil, axis=0)
    sensor_val = (1.0 - alpha) * val_floor + alpha * val_ceil

    sensor_noisy = sensor_val + noise * noise_std
    out = (sensor_noisy - sensor_min) / (sensor_max - sensor_min)
    return out

if __name__ == "__main__":
    import jax
    _d = setup_inputs()
    print(jax.jit(kernel)(*tuple(_d.values())))

</pallas_src>

<mosaic_0001>
#map = affine_map<(d0, d1) -> (0, 0)>
#map1 = affine_map<(d0, d1) -> (0)>
module attributes {stable_mosaic.version = 14 : i64} {
  func.func @_sc_body(%arg0: i32, %arg1: i32, %arg2: memref<200x16384xf32, #tpu.memory_space<hbm>>, %arg3: memref<200x16384xf32, #tpu.memory_space<hbm>>, %arg4: memref<65536xf32, #tpu.memory_space<hbm>>, %arg5: memref<200x16384xf32, #tpu.memory_space<hbm>>, %arg6: memref<65536xf32, #tpu.memory_space<vmem>>, %arg7: memref<2048xf32, #tpu.memory_space<vmem>>, %arg8: memref<2048xf32, #tpu.memory_space<vmem>>, %arg9: memref<2048xf32, #tpu.memory_space<vmem>>, %arg10: memref<2048xf32, #tpu.memory_space<vmem>>, %arg11: memref<2048xf32, #tpu.memory_space<vmem>>, %arg12: memref<2048xf32, #tpu.memory_space<vmem>>, %arg13: memref<!tpu.dma_semaphore, #tpu.memory_space<semaphore_mem>>, %arg14: memref<!tpu.dma_semaphore, #tpu.memory_space<semaphore_mem>>, %arg15: memref<!tpu.dma_semaphore, #tpu.memory_space<semaphore_mem>>, %arg16: memref<!tpu.dma_semaphore, #tpu.memory_space<semaphore_mem>>, %arg17: memref<!tpu.dma_semaphore, #tpu.memory_space<semaphore_mem>>, %arg18: memref<!tpu.dma_semaphore, #tpu.memory_space<semaphore_mem>>, %arg19: memref<!tpu.dma_semaphore, #tpu.memory_space<semaphore_mem>>) attributes {dimension_semantics = [#tpu.dimension_semantics<core_parallel>, #tpu.dimension_semantics<subcore_parallel>], iteration_bounds = array<i64: 2, 16>, scalar_prefetch = 0 : i64, scratch_operands = 14 : i64, tpu.core_type = #tpu.core_type<sc_vector_subcore>, window_params = [{transform_indices = #map}, {transform_indices = #map}, {transform_indices = #map1}, {transform_indices = #map}]} {
    %mul3A = arith.constant 2 : i32
    %mul3A_0 = arith.muli %arg1, %mul3A : i32
    %add3A = arith.addi %mul3A_0, %arg0 : i32
    %mul3A_1 = arith.constant 50 : i32
    %mul3A_2 = arith.muli %add3A, %mul3A_1 : i32
    tpu.enqueue_dma source(%arg4 : memref<65536xf32, #tpu.memory_space<hbm>>) target(%arg6 : memref<65536xf32, #tpu.memory_space<vmem>>) target_semaphore(%arg13 : memref<!tpu.dma_semaphore, #tpu.memory_space<semaphore_mem>>)
    %add3A_3 = arith.constant 0 : i32
    %add3A_4 = arith.addi %mul3A_2, %add3A_3 : i32
    %jit3A = arith.constant 8 : i32
    %div3A = arith.divsi %add3A_4, %jit3A : i32
    %sign3A = arith.constant 0 : i32
    %sign3A_5 = arith.cmpi sgt, %add3A_4, %sign3A : i32
    %sign3A_6 = arith.extui %sign3A_5 : i1 to i32
    %sign3A_7 = arith.constant 0 : i32
    %sign3A_8 = arith.cmpi slt, %add3A_4, %sign3A_7 : i32
    %sign3A_9 = arith.extui %sign3A_8 : i1 to i32
    %sign3A_10 = arith.subi %sign3A_6, %sign3A_9 : i32
    %sign3A_11 = arith.constant 0 : i32
    %sign3A_12 = arith.cmpi sgt, %jit3A, %sign3A_11 : i32
    %sign3A_13 = arith.extui %sign3A_12 : i1 to i32
    %sign3A_14 = arith.constant 0 : i32
    %sign3A_15 = arith.cmpi slt, %jit3A, %sign3A_14 : i32
    %sign3A_16 = arith.extui %sign3A_15 : i1 to i32
    %sign3A_17 = arith.subi %sign3A_13, %sign3A_16 : i32
    %ne3A = arith.cmpi ne, %sign3A_10, %sign3A_17 : i32
    %rem3A = arith.remsi %add3A_4, %jit3A : i32
    %ne3A_18 = arith.constant 0 : i32
    %ne3A_19 = arith.cmpi ne, %rem3A, %ne3A_18 : i32
    %and3A = arith.andi %ne3A, %ne3A_19 : i1
    %sub3A = arith.constant 1 : i32
    %sub3A_20 = arith.subi %div3A, %sub3A : i32
    %select_n3A = arith.select %and3A, %sub3A_20, %div3A : i32
    %jit3A_21 = arith.constant 8 : i32
    %eq3A = arith.constant 0 : i32
    %eq3A_22 = arith.cmpi eq, %jit3A_21, %eq3A : i32
    %jit3A_23 = arith.constant 1 : i32
    %select_n3A_24 = arith.select %eq3A_22, %jit3A_23, %jit3A_21 : i32
    %rem3A_25 = arith.remsi %add3A_4, %select_n3A_24 : i32
    %ne3A_26 = arith.constant 0 : i32
    %ne3A_27 = arith.cmpi ne, %rem3A_25, %ne3A_26 : i32
    %lt3A = arith.constant 0 : i32
    %lt3A_28 = arith.cmpi slt, %rem3A_25, %lt3A : i32
    %lt3A_29 = arith.constant 0 : i32
    %lt3A_30 = arith.cmpi slt, %select_n3A_24, %lt3A_29 : i32
    %ne3A_31 = arith.xori %lt3A_28, %lt3A_30 : i1
    %and3A_32 = arith.andi %ne3A_31, %ne3A_27 : i1
    %add3A_33 = arith.addi %rem3A_25, %select_n3A_24 : i32
    %select_n3A_34 = arith.select %and3A_32, %add3A_33, %rem3A_25 : i32
    %mul3A_35 = arith.constant 2048 : i32
    %mul3A_36 = arith.muli %select_n3A_34, %mul3A_35 : i32
    %dma_start3A = tpu.memref_slice %arg2[%select_n3A, %mul3A_36] : memref<200x16384xf32, #tpu.memory_space<hbm>> -> memref<1x2048xf32, #tpu.memory_space<hbm>>
    %dma_start3A_37 = tpu.memref_squeeze %dma_start3A : memref<1x2048xf32, #tpu.memory_space<hbm>> -> memref<2048xf32, #tpu.memory_space<hbm>>
    %dma_start3A_38 = tpu.memref_slice %arg2[%select_n3A, %mul3A_36] : memref<200x16384xf32, #tpu.memory_space<hbm>> -> memref<1x2048xf32, #tpu.memory_space<hbm>>
    %dma_start3A_39 = tpu.memref_squeeze %dma_start3A_38 : memref<1x2048xf32, #tpu.memory_space<hbm>> -> memref<2048xf32, #tpu.memory_space<hbm>>
    tpu.enqueue_dma source(%dma_start3A_39 : memref<2048xf32, #tpu.memory_space<hbm>>) target(%arg7 : memref<2048xf32, #tpu.memory_space<vmem>>) target_semaphore(%arg14 : memref<!tpu.dma_semaphore, #tpu.memory_space<semaphore_mem>>)
    %dma_start3A_40 = tpu.memref_slice %arg3[%select_n3A, %mul3A_36] : memref<200x16384xf32, #tpu.memory_space<hbm>> -> memref<1x2048xf32, #tpu.memory_space<hbm>>
    %dma_start3A_41 = tpu.memref_squeeze %dma_start3A_40 : memref<1x2048xf32, #tpu.memory_space<hbm>> -> memref<2048xf32, #tpu.memory_space<hbm>>
    %dma_start3A_42 = tpu.memref_slice %arg3[%select_n3A, %mul3A_36] : memref<200x16384xf32, #tpu.memory_space<hbm>> -> memref<1x2048xf32, #tpu.memory_space<hbm>>
    %dma_start3A_43 = tpu.memref_squeeze %dma_start3A_42 : memref<1x2048xf32, #tpu.memory_space<hbm>> -> memref<2048xf32, #tpu.memory_space<hbm>>
    tpu.enqueue_dma source(%dma_start3A_43 : memref<2048xf32, #tpu.memory_space<hbm>>) target(%arg9 : memref<2048xf32, #tpu.memory_space<vmem>>) target_semaphore(%arg16 : memref<!tpu.dma_semaphore, #tpu.memory_space<semaphore_mem>>)
    %add3A_44 = arith.constant 1 : i32
    %add3A_45 = arith.addi %mul3A_2, %add3A_44 : i32
    %jit3A_46 = arith.constant 8 : i32
    %div3A_47 = arith.divsi %add3A_45, %jit3A_46 : i32
    %sign3A_48 = arith.constant 0 : i32
    %sign3A_49 = arith.cmpi sgt, %add3A_45, %sign3A_48 : i32
    %sign3A_50 = arith.extui %sign3A_49 : i1 to i32
    %sign3A_51 = arith.constant 0 : i32
    %sign3A_52 = arith.cmpi slt, %add3A_45, %sign3A_51 : i32
    %sign3A_53 = arith.extui %sign3A_52 : i1 to i32
    %sign3A_54 = arith.subi %sign3A_50, %sign3A_53 : i32
    %sign3A_55 = arith.constant 0 : i32
    %sign3A_56 = arith.cmpi sgt, %jit3A_46, %sign3A_55 : i32
    %sign3A_57 = arith.extui %sign3A_56 : i1 to i32
    %sign3A_58 = arith.constant 0 : i32
    %sign3A_59 = arith.cmpi slt, %jit3A_46, %sign3A_58 : i32
    %sign3A_60 = arith.extui %sign3A_59 : i1 to i32
    %sign3A_61 = arith.subi %sign3A_57, %sign3A_60 : i32
    %ne3A_62 = arith.cmpi ne, %sign3A_54, %sign3A_61 : i32
    %rem3A_63 = arith.remsi %add3A_45, %jit3A_46 : i32
    %ne3A_64 = arith.constant 0 : i32
    %ne3A_65 = arith.cmpi ne, %rem3A_63, %ne3A_64 : i32
    %and3A_66 = arith.andi %ne3A_62, %ne3A_65 : i1
    %sub3A_67 = arith.constant 1 : i32
    %sub3A_68 = arith.subi %div3A_47, %sub3A_67 : i32
    %select_n3A_69 = arith.select %and3A_66, %sub3A_68, %div3A_47 : i32
    %jit3A_70 = arith.constant 8 : i32
    %eq3A_71 = arith.constant 0 : i32
    %eq3A_72 = arith.cmpi eq, %jit3A_70, %eq3A_71 : i32
    %jit3A_73 = arith.constant 1 : i32
    %select_n3A_74 = arith.select %eq3A_72, %jit3A_73, %jit3A_70 : i32
    %rem3A_75 = arith.remsi %add3A_45, %select_n3A_74 : i32
    %ne3A_76 = arith.constant 0 : i32
    %ne3A_77 = arith.cmpi ne, %rem3A_75, %ne3A_76 : i32
    %lt3A_78 = arith.constant 0 : i32
    %lt3A_79 = arith.cmpi slt, %rem3A_75, %lt3A_78 : i32
    %lt3A_80 = arith.constant 0 : i32
    %lt3A_81 = arith.cmpi slt, %select_n3A_74, %lt3A_80 : i32
    %ne3A_82 = arith.xori %lt3A_79, %lt3A_81 : i1
    %and3A_83 = arith.andi %ne3A_82, %ne3A_77 : i1
    %add3A_84 = arith.addi %rem3A_75, %select_n3A_74 : i32
    %select_n3A_85 = arith.select %and3A_83, %add3A_84, %rem3A_75 : i32
    %mul3A_86 = arith.constant 2048 : i32
    %mul3A_87 = arith.muli %select_n3A_85, %mul3A_86 : i32
    %dma_start3A_88 = tpu.memref_slice %arg2[%select_n3A_69, %mul3A_87] : memref<200x16384xf32, #tpu.memory_space<hbm>> -> memref<1x2048xf32, #tpu.memory_space<hbm>>
    %dma_start3A_89 = tpu.memref_squeeze %dma_start3A_88 : memref<1x2048xf32, #tpu.memory_space<hbm>> -> memref<2048xf32, #tpu.memory_space<hbm>>
    %dma_start3A_90 = tpu.memref_slice %arg2[%select_n3A_69, %mul3A_87] : memref<200x16384xf32, #tpu.memory_space<hbm>> -> memref<1x2048xf32, #tpu.memory_space<hbm>>
    %dma_start3A_91 = tpu.memref_squeeze %dma_start3A_90 : memref<1x2048xf32, #tpu.memory_space<hbm>> -> memref<2048xf32, #tpu.memory_space<hbm>>
    tpu.enqueue_dma source(%dma_start3A_91 : memref<2048xf32, #tpu.memory_space<hbm>>) target(%arg8 : memref<2048xf32, #tpu.memory_space<vmem>>) target_semaphore(%arg15 : memref<!tpu.dma_semaphore, #tpu.memory_space<semaphore_mem>>)
    %dma_start3A_92 = tpu.memref_slice %arg3[%select_n3A_69, %mul3A_87] : memref<200x16384xf32, #tpu.memory_space<hbm>> -> memref<1x2048xf32, #tpu.memory_space<hbm>>
    %dma_start3A_93 = tpu.memref_squeeze %dma_start3A_92 : memref<1x2048xf32, #tpu.memory_space<hbm>> -> memref<2048xf32, #tpu.memory_space<hbm>>
    %dma_start3A_94 = tpu.memref_slice %arg3[%select_n3A_69, %mul3A_87] : memref<200x16384xf32, #tpu.memory_space<hbm>> -> memref<1x2048xf32, #tpu.memory_space<hbm>>
    %dma_start3A_95 = tpu.memref_squeeze %dma_start3A_94 : memref<1x2048xf32, #tpu.memory_space<hbm>> -> memref<2048xf32, #tpu.memory_space<hbm>>
    tpu.enqueue_dma source(%dma_start3A_95 : memref<2048xf32, #tpu.memory_space<hbm>>) target(%arg10 : memref<2048xf32, #tpu.memory_space<vmem>>) target_semaphore(%arg17 : memref<!tpu.dma_semaphore, #tpu.memory_space<semaphore_mem>>)
    tpu.wait_dma2 semaphore(%arg13 : memref<!tpu.dma_semaphore, #tpu.memory_space<semaphore_mem>>) src(%arg4 : memref<65536xf32, #tpu.memory_space<hbm>>) dst(%arg6 : memref<65536xf32, #tpu.memory_space<vmem>>)
    %get3A = arith.constant 0 : index
    %get3A_96 = tpu.vector_load %arg6[%get3A] {strides = array<i32>} : memref<65536xf32, #tpu.memory_space<vmem>>, vector<16xf32>,
    %slice3A = vector.extract_strided_slice %get3A_96 {offsets = [0], sizes = [1], strides = [1]} : vector<16xf32> to vector<1xf32>
    %squeeze3A = vector.extract %slice3A[0] : f32 from vector<1xf32>
    %get3A_97 = arith.constant 65520 : index
    %get3A_98 = tpu.vector_load %arg6[%get3A_97] {strides = array<i32>} : memref<65536xf32, #tpu.memory_space<vmem>>, vector<16xf32>,
    %slice3A_99 = vector.extract_strided_slice %get3A_98 {offsets = [15], sizes = [1], strides = [1]} : vector<16xf32> to vector<1xf32>
    %squeeze3A_100 = vector.extract %slice3A_99[0] : f32 from vector<1xf32>
    %sub3A_101 = arith.subf %squeeze3A_100, %squeeze3A : f32
    %broadcast_in_dim3A = vector.broadcast %sub3A_101 : f32 to vector<16xf32>
    %div3A_102 = arith.constant 1.000000e+00 : f32
    %div3A_103 = vector.broadcast %div3A_102 : f32 to vector<16xf32>
    %div3A_104 = arith.divf %div3A_103, %broadcast_in_dim3A : vector<16xf32>
    %neg3A = arith.constant 0.000000e+00 : f32
    %neg3A_105 = arith.subf %neg3A, %squeeze3A : f32
    %mul3A_106 = vector.broadcast %neg3A_105 : f32 to vector<16xf32>
    %mul3A_107 = arith.mulf %mul3A_106, %div3A_104 : vector<16xf32>
    %scan3A = arith.constant 0 : i32
    %scan3A_108 = arith.constant 0 : i32
    %scan3A_109 = arith.constant 25 : i32
    %scan3A_110 = arith.addi %scan3A_108, %scan3A_109 : i32
    %scan3A_111 = arith.constant 1 : i32
    %scan3A_112 = scf.for %scan3A_165 = %scan3A_108 to %scan3A_110 step %scan3A_111 iter_args(%scan3A_166 = %scan3A) -> (i32)  : i32 {
      %mul3A_167 = arith.constant 2 : i32
      %mul3A_168 = arith.muli %mul3A_167, %scan3A_165 : i32
      %add3A_169 = arith.constant 0 : i32
      %add3A_170 = arith.addi %mul3A_168, %add3A_169 : i32
      %add3A_171 = arith.addi %mul3A_2, %add3A_170 : i32
      %jit3A_172 = arith.constant 8 : i32
      %div3A_173 = arith.divsi %add3A_171, %jit3A_172 : i32
      %sign3A_174 = arith.constant 0 : i32
      %sign3A_175 = arith.cmpi sgt, %add3A_171, %sign3A_174 : i32
      %sign3A_176 = arith.extui %sign3A_175 : i1 to i32
      %sign3A_177 = arith.constant 0 : i32
      %sign3A_178 = arith.cmpi slt, %add3A_171, %sign3A_177 : i32
      %sign3A_179 = arith.extui %sign3A_178 : i1 to i32
      %sign3A_180 = arith.subi %sign3A_176, %sign3A_179 : i32
      %sign3A_181 = arith.constant 0 : i32
      %sign3A_182 = arith.cmpi sgt, %jit3A_172, %sign3A_181 : i32
      %sign3A_183 = arith.extui %sign3A_182 : i1 to i32
      %sign3A_184 = arith.constant 0 : i32
      %sign3A_185 = arith.cmpi slt, %jit3A_172, %sign3A_184 : i32
      %sign3A_186 = arith.extui %sign3A_185 : i1 to i32
      %sign3A_187 = arith.subi %sign3A_183, %sign3A_186 : i32
      %ne3A_188 = arith.cmpi ne, %sign3A_180, %sign3A_187 : i32
      %rem3A_189 = arith.remsi %add3A_171, %jit3A_172 : i32
      %ne3A_190 = arith.constant 0 : i32
      %ne3A_191 = arith.cmpi ne, %rem3A_189, %ne3A_190 : i32
      %and3A_192 = arith.andi %ne3A_188, %ne3A_191 : i1
      %sub3A_193 = arith.constant 1 : i32
      %sub3A_194 = arith.subi %div3A_173, %sub3A_193 : i32
      %select_n3A_195 = arith.select %and3A_192, %sub3A_194, %div3A_173 : i32
      %jit3A_196 = arith.constant 8 : i32
      %eq3A_197 = arith.constant 0 : i32
      %eq3A_198 = arith.cmpi eq, %jit3A_196, %eq3A_197 : i32
      %jit3A_199 = arith.constant 1 : i32
      %select_n3A_200 = arith.select %eq3A_198, %jit3A_199, %jit3A_196 : i32
      %rem3A_201 = arith.remsi %add3A_171, %select_n3A_200 : i32
      %ne3A_202 = arith.constant 0 : i32
      %ne3A_203 = arith.cmpi ne, %rem3A_201, %ne3A_202 : i32
      %lt3A_204 = arith.constant 0 : i32
      %lt3A_205 = arith.cmpi slt, %rem3A_201, %lt3A_204 : i32
      %lt3A_206 = arith.constant 0 : i32
      %lt3A_207 = arith.cmpi slt, %select_n3A_200, %lt3A_206 : i32
      %ne3A_208 = arith.xori %lt3A_205, %lt3A_207 : i1
      %and3A_209 = arith.andi %ne3A_208, %ne3A_203 : i1
      %add3A_210 = arith.addi %rem3A_201, %select_n3A_200 : i32
      %select_n3A_211 = arith.select %and3A_209, %add3A_210, %rem3A_201 : i32
      %mul3A_212 = arith.constant 2048 : i32
      %mul3A_213 = arith.muli %select_n3A_211, %mul3A_212 : i32
      %dma_wait3A_214 = tpu.memref_slice %arg2[%select_n3A_195, %mul3A_213] : memref<200x16384xf32, #tpu.memory_space<hbm>> -> memref<1x2048xf32, #tpu.memory_space<hbm>>
      %dma_wait3A_215 = tpu.memref_squeeze %dma_wait3A_214 : memref<1x2048xf32, #tpu.memory_space<hbm>> -> memref<2048xf32, #tpu.memory_space<hbm>>
      %dma_wait3A_216 = tpu.memref_slice %arg2[%select_n3A_195, %mul3A_213] : memref<200x16384xf32, #tpu.memory_space<hbm>> -> memref<1x2048xf32, #tpu.memory_space<hbm>>
      %dma_wait3A_217 = tpu.memref_squeeze %dma_wait3A_216 : memref<1x2048xf32, #tpu.memory_space<hbm>> -> memref<2048xf32, #tpu.memory_space<hbm>>
      tpu.wait_dma2 semaphore(%arg14 : memref<!tpu.dma_semaphore, #tpu.memory_space<semaphore_mem>>) src(%dma_wait3A_217 : memref<2048xf32, #tpu.memory_space<hbm>>) dst(%arg7 : memref<2048xf32, #tpu.memory_space<vmem>>)
      %dma_wait3A_218 = tpu.memref_slice %arg3[%select_n3A_195, %mul3A_213] : memref<200x16384xf32, #tpu.memory_space<hbm>> -> memref<1x2048xf32, #tpu.memory_space<hbm>>
      %dma_wait3A_219 = tpu.memref_squeeze %dma_wait3A_218 : memref<1x2048xf32, #tpu.memory_space<hbm>> -> memref<2048xf32, #tpu.memory_space<hbm>>
      %dma_wait3A_220 = tpu.memref_slice %arg3[%select_n3A_195, %mul3A_213] : memref<200x16384xf32, #tpu.memory_space<hbm>> -> memref<1x2048xf32, #tpu.memory_space<hbm>>
      %dma_wait3A_221 = tpu.memref_squeeze %dma_wait3A_220 : memref<1x2048xf32, #tpu.memory_space<hbm>> -> memref<2048xf32, #tpu.memory_space<hbm>>
      tpu.wait_dma2 semaphore(%arg16 : memref<!tpu.dma_semaphore, #tpu.memory_space<semaphore_mem>>) src(%dma_wait3A_221 : memref<2048xf32, #tpu.memory_space<hbm>>) dst(%arg9 : memref<2048xf32, #tpu.memory_space<vmem>>)
      %gt3A = arith.constant 0 : i32
      %gt3A_222 = arith.cmpi sgt, %scan3A_165, %gt3A : i32
      %convert_element_type3A = arith.extui %gt3A_222 : i1 to i32
      %cond3A = arith.constant 0 : i32
      %cond3A_223 = arith.cmpi ne, %convert_element_type3A, %cond3A : i32
      scf.if %cond3A_223 {
        %dma_wait3A_308 = tpu.memref_slice %arg5[%select_n3A_195, %mul3A_213] : memref<200x16384xf32, #tpu.memory_space<hbm>> -> memref<1x2048xf32, #tpu.memory_space<hbm>>
        %dma_wait3A_309 = tpu.memref_squeeze %dma_wait3A_308 : memref<1x2048xf32, #tpu.memory_space<hbm>> -> memref<2048xf32, #tpu.memory_space<hbm>>
        %dma_wait3A_310 = tpu.memref_slice %arg5[%select_n3A_195, %mul3A_213] : memref<200x16384xf32, #tpu.memory_space<hbm>> -> memref<1x2048xf32, #tpu.memory_space<hbm>>
        %dma_wait3A_311 = tpu.memref_squeeze %dma_wait3A_310 : memref<1x2048xf32, #tpu.memory_space<hbm>> -> memref<2048xf32, #tpu.memory_space<hbm>>
        tpu.wait_dma2 semaphore(%arg18 : memref<!tpu.dma_semaphore, #tpu.memory_space<semaphore_mem>>) src(%arg11 : memref<2048xf32, #tpu.memory_space<vmem>>) dst(%dma_wait3A_311 : memref<2048xf32, #tpu.memory_space<hbm>>)
      } else {
      }
      %parallel_loop3A = arith.constant 0 : i32
      %parallel_loop3A_224 = arith.constant 2048 : i32
      %parallel_loop3A_225 = arith.constant 16 : i32
      scf.for %parallel_loop3A_308 = %parallel_loop3A to %parallel_loop3A_224 step %parallel_loop3A_225  : i32 {
        %parallel_loop3A_309 = arith.index_cast %parallel_loop3A_308 : i32 to index
        %parallel_loop3A_310 = tpu.vector_load %arg7[%parallel_loop3A_309] {strides = array<i32>} : memref<2048xf32, #tpu.memory_space<vmem>>, vector<16xf32>,
        %parallel_loop3A_311 = arith.index_cast %parallel_loop3A_308 : i32 to index
        %parallel_loop3A_312 = tpu.vector_load %arg9[%parallel_loop3A_311] {strides = array<i32>} : memref<2048xf32, #tpu.memory_space<vmem>>, vector<16xf32>,
        %parallel_loop3A_313 = arith.constant 6.553500e+04 : f32
        %parallel_loop3A_314 = vector.broadcast %parallel_loop3A_313 : f32 to vector<16xf32>
        %parallel_loop3A_315 = arith.mulf %parallel_loop3A_310, %parallel_loop3A_314 : vector<16xf32>
        %parallel_loop3A_316 = arith.fptosi %parallel_loop3A_315 : vector<16xf32> to vector<16xi32>
        %parallel_loop3A_317 = arith.constant 1 : i32
        %parallel_loop3A_318 = vector.broadcast %parallel_loop3A_317 : i32 to vector<16xi32>
        %parallel_loop3A_319 = arith.addi %parallel_loop3A_316, %parallel_loop3A_318 : vector<16xi32>
        %parallel_loop3A_320 = arith.constant 65535 : i32
        %parallel_loop3A_321 = vector.broadcast %parallel_loop3A_320 : i32 to vector<16xi32>
        %parallel_loop3A_322 = arith.minsi %parallel_loop3A_319, %parallel_loop3A_321 : vector<16xi32>
        %parallel_loop3A_323 = arith.sitofp %parallel_loop3A_316 : vector<16xi32> to vector<16xf32>
        %parallel_loop3A_324 = arith.subf %parallel_loop3A_315, %parallel_loop3A_323 : vector<16xf32>
        %parallel_loop3A_325 = tpu.vector_load_idx %arg6[%parallel_loop3A_316] : memref<65536xf32, #tpu.memory_space<vmem>>[vector<16xi32>], vector<16xf32>,
        %parallel_loop3A_326 = tpu.vector_load_idx %arg6[%parallel_loop3A_322] : memref<65536xf32, #tpu.memory_space<vmem>>[vector<16xi32>], vector<16xf32>,
        %parallel_loop3A_327 = arith.subf %parallel_loop3A_326, %parallel_loop3A_325 : vector<16xf32>
        %parallel_loop3A_328 = arith.mulf %parallel_loop3A_324, %parallel_loop3A_327 : vector<16xf32>
        %parallel_loop3A_329 = arith.addf %parallel_loop3A_325, %parallel_loop3A_328 : vector<16xf32>
        %parallel_loop3A_330 = arith.mulf %parallel_loop3A_329, %div3A_104 : vector<16xf32>
        %parallel_loop3A_331 = arith.constant 3.000000e-02 : f32
        %parallel_loop3A_332 = vector.broadcast %parallel_loop3A_331 : f32 to vector<16xf32>
        %parallel_loop3A_333 = arith.mulf %parallel_loop3A_312, %parallel_loop3A_332 : vector<16xf32>
        %parallel_loop3A_334 = arith.addf %parallel_loop3A_330, %parallel_loop3A_333 : vector<16xf32>
        %parallel_loop3A_335 = arith.addf %parallel_loop3A_334, %mul3A_107 : vector<16xf32>
        %parallel_loop3A_336 = arith.index_cast %parallel_loop3A_308 : i32 to index
        %parallel_loop3A_337 = tpu.vector_load %arg11[%parallel_loop3A_336] {strides = array<i32>} : memref<2048xf32, #tpu.memory_space<vmem>>, vector<16xf32>,
        tpu.vector_store %arg11[%parallel_loop3A_336], %parallel_loop3A_335 {strides = array<i32>} : memref<2048xf32, #tpu.memory_space<vmem>>, vector<16xf32>,
      } {sc.loop_unroll_factor = 16 : i64, sc.parallel_access}
      %dma_start3A_226 = tpu.memref_slice %arg5[%select_n3A_195, %mul3A_213] : memref<200x16384xf32, #tpu.memory_space<hbm>> -> memref<1x2048xf32, #tpu.memory_space<hbm>>
      %dma_start3A_227 = tpu.memref_squeeze %dma_start3A_226 : memref<1x2048xf32, #tpu.memory_space<hbm>> -> memref<2048xf32, #tpu.memory_space<hbm>>
      %dma_start3A_228 = tpu.memref_slice %arg5[%select_n3A_195, %mul3A_213] : memref<200x16384xf32, #tpu.memory_space<hbm>> -> memref<1x2048xf32, #tpu.memory_space<hbm>>
      %dma_start3A_229 = tpu.memref_squeeze %dma_start3A_228 : memref<1x2048xf32, #tpu.memory_space<hbm>> -> memref<2048xf32, #tpu.memory_space<hbm>>
      tpu.enqueue_dma source(%arg11 : memref<2048xf32, #tpu.memory_space<vmem>>) target(%dma_start3A_229 : memref<2048xf32, #tpu.memory_space<hbm>>) target_semaphore(%arg18 : memref<!tpu.dma_semaphore, #tpu.memory_space<semaphore_mem>>)
      %lt3A_230 = arith.constant 24 : i32
      %lt3A_231 = arith.cmpi slt, %scan3A_165, %lt3A_230 : i32
      %convert_element_type3A_232 = arith.extui %lt3A_231 : i1 to i32
      %cond3A_233 = arith.constant 0 : i32
      %cond3A_234 = arith.cmpi ne, %convert_element_type3A_232, %cond3A_233 : i32
      scf.if %cond3A_234 {
        %add3A_308 = arith.constant 2 : i32
        %add3A_309 = arith.addi %add3A_170, %add3A_308 : i32
        %add3A_310 = arith.addi %mul3A_2, %add3A_309 : i32
        %jit3A_311 = arith.constant 8 : i32
        %div3A_312 = arith.divsi %add3A_310, %jit3A_311 : i32
        %sign3A_313 = arith.constant 0 : i32
        %sign3A_314 = arith.cmpi sgt, %add3A_310, %sign3A_313 : i32
        %sign3A_315 = arith.extui %sign3A_314 : i1 to i32
        %sign3A_316 = arith.constant 0 : i32
        %sign3A_317 = arith.cmpi slt, %add3A_310, %sign3A_316 : i32
        %sign3A_318 = arith.extui %sign3A_317 : i1 to i32
        %sign3A_319 = arith.subi %sign3A_315, %sign3A_318 : i32
        %sign3A_320 = arith.constant 0 : i32
        %sign3A_321 = arith.cmpi sgt, %jit3A_311, %sign3A_320 : i32
        %sign3A_322 = arith.extui %sign3A_321 : i1 to i32
        %sign3A_323 = arith.constant 0 : i32
        %sign3A_324 = arith.cmpi slt, %jit3A_311, %sign3A_323 : i32
        %sign3A_325 = arith.extui %sign3A_324 : i1 to i32
        %sign3A_326 = arith.subi %sign3A_322, %sign3A_325 : i32
        %ne3A_327 = arith.cmpi ne, %sign3A_319, %sign3A_326 : i32
        %rem3A_328 = arith.remsi %add3A_310, %jit3A_311 : i32
        %ne3A_329 = arith.constant 0 : i32
        %ne3A_330 = arith.cmpi ne, %rem3A_328, %ne3A_329 : i32
        %and3A_331 = arith.andi %ne3A_327, %ne3A_330 : i1
        %sub3A_332 = arith.constant 1 : i32
        %sub3A_333 = arith.subi %div3A_312, %sub3A_332 : i32
        %select_n3A_334 = arith.select %and3A_331, %sub3A_333, %div3A_312 : i32
        %jit3A_335 = arith.constant 8 : i32
        %eq3A_336 = arith.constant 0 : i32
        %eq3A_337 = arith.cmpi eq, %jit3A_335, %eq3A_336 : i32
        %jit3A_338 = arith.constant 1 : i32
        %select_n3A_339 = arith.select %eq3A_337, %jit3A_338, %jit3A_335 : i32
        %rem3A_340 = arith.remsi %add3A_310, %select_n3A_339 : i32
        %ne3A_341 = arith.constant 0 : i32
        %ne3A_342 = arith.cmpi ne, %rem3A_340, %ne3A_341 : i32
        %lt3A_343 = arith.constant 0 : i32
        %lt3A_344 = arith.cmpi slt, %rem3A_340, %lt3A_343 : i32
        %lt3A_345 = arith.constant 0 : i32
        %lt3A_346 = arith.cmpi slt, %select_n3A_339, %lt3A_345 : i32
        %ne3A_347 = arith.xori %lt3A_344, %lt3A_346 : i1
        %and3A_348 = arith.andi %ne3A_347, %ne3A_342 : i1
        %add3A_349 = arith.addi %rem3A_340, %select_n3A_339 : i32
        %select_n3A_350 = arith.select %and3A_348, %add3A_349, %rem3A_340 : i32
        %mul3A_351 = arith.constant 2048 : i32
        %mul3A_352 = arith.muli %select_n3A_350, %mul3A_351 : i32
        %dma_start3A_353 = tpu.memref_slice %arg2[%select_n3A_334, %mul3A_352] : memref<200x16384xf32, #tpu.memory_space<hbm>> -> memref<1x2048xf32, #tpu.memory_space<hbm>>
        %dma_start3A_354 = tpu.memref_squeeze %dma_start3A_353 : memref<1x2048xf32, #tpu.memory_space<hbm>> -> memref<2048xf32, #tpu.memory_space<hbm>>
        %dma_start3A_355 = tpu.memref_slice %arg2[%select_n3A_334, %mul3A_352] : memref<200x16384xf32, #tpu.memory_space<hbm>> -> memref<1x2048xf32, #tpu.memory_space<hbm>>
        %dma_start3A_356 = tpu.memref_squeeze %dma_start3A_355 : memref<1x2048xf32, #tpu.memory_space<hbm>> -> memref<2048xf32, #tpu.memory_space<hbm>>
        tpu.enqueue_dma source(%dma_start3A_356 : memref<2048xf32, #tpu.memory_space<hbm>>) target(%arg7 : memref<2048xf32, #tpu.memory_space<vmem>>) target_semaphore(%arg14 : memref<!tpu.dma_semaphore, #tpu.memory_space<semaphore_mem>>)
        %dma_start3A_357 = tpu.memref_slice %arg3[%select_n3A_334, %mul3A_352] : memref<200x16384xf32, #tpu.memory_space<hbm>> -> memref<1x2048xf32, #tpu.memory_space<hbm>>
        %dma_start3A_358 = tpu.memref_squeeze %dma_start3A_357 : memref<1x2048xf32, #tpu.memory_space<hbm>> -> memref<2048xf32, #tpu.memory_space<hbm>>
        %dma_start3A_359 = tpu.memref_slice %arg3[%select_n3A_334, %mul3A_352] : memref<200x16384xf32, #tpu.memory_space<hbm>> -> memref<1x2048xf32, #tpu.memory_space<hbm>>
        %dma_start3A_360 = tpu.memref_squeeze %dma_start3A_359 : memref<1x2048xf32, #tpu.memory_space<hbm>> -> memref<2048xf32, #tpu.memory_space<hbm>>
        tpu.enqueue_dma source(%dma_start3A_360 : memref<2048xf32, #tpu.memory_space<hbm>>) target(%arg9 : memref<2048xf32, #tpu.memory_space<vmem>>) target_semaphore(%arg16 : memref<!tpu.dma_semaphore, #tpu.memory_space<semaphore_mem>>)
      } else {
      }
      %mul3A_235 = arith.constant 2 : i32
      %mul3A_236 = arith.muli %mul3A_235, %scan3A_165 : i32
      %add3A_237 = arith.constant 1 : i32
      %add3A_238 = arith.addi %mul3A_236, %add3A_237 : i32
      %add3A_239 = arith.addi %mul3A_2, %add3A_238 : i32
      %jit3A_240 = arith.constant 8 : i32
      %div3A_241 = arith.divsi %add3A_239, %jit3A_240 : i32
      %sign3A_242 = arith.constant 0 : i32
      %sign3A_243 = arith.cmpi sgt, %add3A_239, %sign3A_242 : i32
      %sign3A_244 = arith.extui %sign3A_243 : i1 to i32
      %sign3A_245 = arith.constant 0 : i32
      %sign3A_246 = arith.cmpi slt, %add3A_239, %sign3A_245 : i32
      %sign3A_247 = arith.extui %sign3A_246 : i1 to i32
      %sign3A_248 = arith.subi %sign3A_244, %sign3A_247 : i32
      %sign3A_249 = arith.constant 0 : i32
      %sign3A_250 = arith.cmpi sgt, %jit3A_240, %sign3A_249 : i32
      %sign3A_251 = arith.extui %sign3A_250 : i1 to i32
      %sign3A_252 = arith.constant 0 : i32
      %sign3A_253 = arith.cmpi slt, %jit3A_240, %sign3A_252 : i32
      %sign3A_254 = arith.extui %sign3A_253 : i1 to i32
      %sign3A_255 = arith.subi %sign3A_251, %sign3A_254 : i32
      %ne3A_256 = arith.cmpi ne, %sign3A_248, %sign3A_255 : i32
      %rem3A_257 = arith.remsi %add3A_239, %jit3A_240 : i32
      %ne3A_258 = arith.constant 0 : i32
      %ne3A_259 = arith.cmpi ne, %rem3A_257, %ne3A_258 : i32
      %and3A_260 = arith.andi %ne3A_256, %ne3A_259 : i1
      %sub3A_261 = arith.constant 1 : i32
      %sub3A_262 = arith.subi %div3A_241, %sub3A_261 : i32
      %select_n3A_263 = arith.select %and3A_260, %sub3A_262, %div3A_241 : i32
      %jit3A_264 = arith.constant 8 : i32
      %eq3A_265 = arith.constant 0 : i32
      %eq3A_266 = arith.cmpi eq, %jit3A_264, %eq3A_265 : i32
      %jit3A_267 = arith.constant 1 : i32
      %select_n3A_268 = arith.select %eq3A_266, %jit3A_267, %jit3A_264 : i32
      %rem3A_269 = arith.remsi %add3A_239, %select_n3A_268 : i32
      %ne3A_270 = arith.constant 0 : i32
      %ne3A_271 = arith.cmpi ne, %rem3A_269, %ne3A_270 : i32
      %lt3A_272 = arith.constant 0 : i32
      %lt3A_273 = arith.cmpi slt, %rem3A_269, %lt3A_272 : i32
      %lt3A_274 = arith.constant 0 : i32
      %lt3A_275 = arith.cmpi slt, %select_n3A_268, %lt3A_274 : i32
      %ne3A_276 = arith.xori %lt3A_273, %lt3A_275 : i1
      %and3A_277 = arith.andi %ne3A_276, %ne3A_271 : i1
      %add3A_278 = arith.addi %rem3A_269, %select_n3A_268 : i32
      %select_n3A_279 = arith.select %and3A_277, %add3A_278, %rem3A_269 : i32
      %mul3A_280 = arith.constant 2048 : i32
      %mul3A_281 = arith.muli %select_n3A_279, %mul3A_280 : i32
      %dma_wait3A_282 = tpu.memref_slice %arg2[%select_n3A_263, %mul3A_281] : memref<200x16384xf32, #tpu.memory_space<hbm>> -> memref<1x2048xf32, #tpu.memory_space<hbm>>
      %dma_wait3A_283 = tpu.memref_squeeze %dma_wait3A_282 : memref<1x2048xf32, #tpu.memory_space<hbm>> -> memref<2048xf32, #tpu.memory_space<hbm>>
      %dma_wait3A_284 = tpu.memref_slice %arg2[%select_n3A_263, %mul3A_281] : memref<200x16384xf32, #tpu.memory_space<hbm>> -> memref<1x2048xf32, #tpu.memory_space<hbm>>
      %dma_wait3A_285 = tpu.memref_squeeze %dma_wait3A_284 : memref<1x2048xf32, #tpu.memory_space<hbm>> -> memref<2048xf32, #tpu.memory_space<hbm>>
      tpu.wait_dma2 semaphore(%arg15 : memref<!tpu.dma_semaphore, #tpu.memory_space<semaphore_mem>>) src(%dma_wait3A_285 : memref<2048xf32, #tpu.memory_space<hbm>>) dst(%arg8 : memref<2048xf32, #tpu.memory_space<vmem>>)
      %dma_wait3A_286 = tpu.memref_slice %arg3[%select_n3A_263, %mul3A_281] : memref<200x16384xf32, #tpu.memory_space<hbm>> -> memref<1x2048xf32, #tpu.memory_space<hbm>>
      %dma_wait3A_287 = tpu.memref_squeeze %dma_wait3A_286 : memref<1x2048xf32, #tpu.memory_space<hbm>> -> memref<2048xf32, #tpu.memory_space<hbm>>
      %dma_wait3A_288 = tpu.memref_slice %arg3[%select_n3A_263, %mul3A_281] : memref<200x16384xf32, #tpu.memory_space<hbm>> -> memref<1x2048xf32, #tpu.memory_space<hbm>>
      %dma_wait3A_289 = tpu.memref_squeeze %dma_wait3A_288 : memref<1x2048xf32, #tpu.memory_space<hbm>> -> memref<2048xf32, #tpu.memory_space<hbm>>
      tpu.wait_dma2 semaphore(%arg17 : memref<!tpu.dma_semaphore, #tpu.memory_space<semaphore_mem>>) src(%dma_wait3A_289 : memref<2048xf32, #tpu.memory_space<hbm>>) dst(%arg10 : memref<2048xf32, #tpu.memory_space<vmem>>)
      %gt3A_290 = arith.constant 0 : i32
      %gt3A_291 = arith.cmpi sgt, %scan3A_165, %gt3A_290 : i32
      %convert_element_type3A_292 = arith.extui %gt3A_291 : i1 to i32
      %cond3A_293 = arith.constant 0 : i32
      %cond3A_294 = arith.cmpi ne, %convert_element_type3A_292, %cond3A_293 : i32
      scf.if %cond3A_294 {
        %dma_wait3A_308 = tpu.memref_slice %arg5[%select_n3A_263, %mul3A_281] : memref<200x16384xf32, #tpu.memory_space<hbm>> -> memref<1x2048xf32, #tpu.memory_space<hbm>>
        %dma_wait3A_309 = tpu.memref_squeeze %dma_wait3A_308 : memref<1x2048xf32, #tpu.memory_space<hbm>> -> memref<2048xf32, #tpu.memory_space<hbm>>
        %dma_wait3A_310 = tpu.memref_slice %arg5[%select_n3A_263, %mul3A_281] : memref<200x16384xf32, #tpu.memory_space<hbm>> -> memref<1x2048xf32, #tpu.memory_space<hbm>>
        %dma_wait3A_311 = tpu.memref_squeeze %dma_wait3A_310 : memref<1x2048xf32, #tpu.memory_space<hbm>> -> memref<2048xf32, #tpu.memory_space<hbm>>
        tpu.wait_dma2 semaphore(%arg19 : memref<!tpu.dma_semaphore, #tpu.memory_space<semaphore_mem>>) src(%arg12 : memref<2048xf32, #tpu.memory_space<vmem>>) dst(%dma_wait3A_311 : memref<2048xf32, #tpu.memory_space<hbm>>)
      } else {
      }
      %parallel_loop3A_295 = arith.constant 0 : i32
      %parallel_loop3A_296 = arith.constant 2048 : i32
      %parallel_loop3A_297 = arith.constant 16 : i32
      scf.for %parallel_loop3A_308 = %parallel_loop3A_295 to %parallel_loop3A_296 step %parallel_loop3A_297  : i32 {
        %parallel_loop3A_309 = arith.index_cast %parallel_loop3A_308 : i32 to index
        %parallel_loop3A_310 = tpu.vector_load %arg8[%parallel_loop3A_309] {strides = array<i32>} : memref<2048xf32, #tpu.memory_space<vmem>>, vector<16xf32>,
        %parallel_loop3A_311 = arith.index_cast %parallel_loop3A_308 : i32 to index
        %parallel_loop3A_312 = tpu.vector_load %arg10[%parallel_loop3A_311] {strides = array<i32>} : memref<2048xf32, #tpu.memory_space<vmem>>, vector<16xf32>,
        %parallel_loop3A_313 = arith.constant 6.553500e+04 : f32
        %parallel_loop3A_314 = vector.broadcast %parallel_loop3A_313 : f32 to vector<16xf32>
        %parallel_loop3A_315 = arith.mulf %parallel_loop3A_310, %parallel_loop3A_314 : vector<16xf32>
        %parallel_loop3A_316 = arith.fptosi %parallel_loop3A_315 : vector<16xf32> to vector<16xi32>
        %parallel_loop3A_317 = arith.constant 1 : i32
        %parallel_loop3A_318 = vector.broadcast %parallel_loop3A_317 : i32 to vector<16xi32>
        %parallel_loop3A_319 = arith.addi %parallel_loop3A_316, %parallel_loop3A_318 : vector<16xi32>
        %parallel_loop3A_320 = arith.constant 65535 : i32
        %parallel_loop3A_321 = vector.broadcast %parallel_loop3A_320 : i32 to vector<16xi32>
        %parallel_loop3A_322 = arith.minsi %parallel_loop3A_319, %parallel_loop3A_321 : vector<16xi32>
        %parallel_loop3A_323 = arith.sitofp %parallel_loop3A_316 : vector<16xi32> to vector<16xf32>
        %parallel_loop3A_324 = arith.subf %parallel_loop3A_315, %parallel_loop3A_323 : vector<16xf32>
        %parallel_loop3A_325 = tpu.vector_load_idx %arg6[%parallel_loop3A_316] : memref<65536xf32, #tpu.memory_space<vmem>>[vector<16xi32>], vector<16xf32>,
        %parallel_loop3A_326 = tpu.vector_load_idx %arg6[%parallel_loop3A_322] : memref<65536xf32, #tpu.memory_space<vmem>>[vector<16xi32>], vector<16xf32>,
        %parallel_loop3A_327 = arith.subf %parallel_loop3A_326, %parallel_loop3A_325 : vector<16xf32>
        %parallel_loop3A_328 = arith.mulf %parallel_loop3A_324, %parallel_loop3A_327 : vector<16xf32>
        %parallel_loop3A_329 = arith.addf %parallel_loop3A_325, %parallel_loop3A_328 : vector<16xf32>
        %parallel_loop3A_330 = arith.mulf %parallel_loop3A_329, %div3A_104 : vector<16xf32>
        %parallel_loop3A_331 = arith.constant 3.000000e-02 : f32
        %parallel_loop3A_332 = vector.broadcast %parallel_loop3A_331 : f32 to vector<16xf32>
        %parallel_loop3A_333 = arith.mulf %parallel_loop3A_312, %parallel_loop3A_332 : vector<16xf32>
        %parallel_loop3A_334 = arith.addf %parallel_loop3A_330, %parallel_loop3A_333 : vector<16xf32>
        %parallel_loop3A_335 = arith.addf %parallel_loop3A_334, %mul3A_107 : vector<16xf32>
        %parallel_loop3A_336 = arith.index_cast %parallel_loop3A_308 : i32 to index
        %parallel_loop3A_337 = tpu.vector_load %arg12[%parallel_loop3A_336] {strides = array<i32>} : memref<2048xf32, #tpu.memory_space<vmem>>, vector<16xf32>,
        tpu.vector_store %arg12[%parallel_loop3A_336], %parallel_loop3A_335 {strides = array<i32>} : memref<2048xf32, #tpu.memory_space<vmem>>, vector<16xf32>,
      } {sc.loop_unroll_factor = 16 : i64, sc.parallel_access}
      %dma_start3A_298 = tpu.memref_slice %arg5[%select_n3A_263, %mul3A_281] : memref<200x16384xf32, #tpu.memory_space<hbm>> -> memref<1x2048xf32, #tpu.memory_space<hbm>>
      %dma_start3A_299 = tpu.memref_squeeze %dma_start3A_298 : memref<1x2048xf32, #tpu.memory_space<hbm>> -> memref<2048xf32, #tpu.memory_space<hbm>>
      %dma_start3A_300 = tpu.memref_slice %arg5[%select_n3A_263, %mul3A_281] : memref<200x16384xf32, #tpu.memory_space<hbm>> -> memref<1x2048xf32, #tpu.memory_space<hbm>>
      %dma_start3A_301 = tpu.memref_squeeze %dma_start3A_300 : memref<1x2048xf32, #tpu.memory_space<hbm>> -> memref<2048xf32, #tpu.memory_space<hbm>>
      tpu.enqueue_dma source(%arg12 : memref<2048xf32, #tpu.memory_space<vmem>>) target(%dma_start3A_301 : memref<2048xf32, #tpu.memory_space<hbm>>) target_semaphore(%arg19 : memref<!tpu.dma_semaphore, #tpu.memory_space<semaphore_mem>>)
      %lt3A_302 = arith.constant 24 : i32
      %lt3A_303 = arith.cmpi slt, %scan3A_165, %lt3A_302 : i32
      %convert_element_type3A_304 = arith.extui %lt3A_303 : i1 to i32
      %cond3A_305 = arith.constant 0 : i32
      %cond3A_306 = arith.cmpi ne, %convert_element_type3A_304, %cond3A_305 : i32
      scf.if %cond3A_306 {
        %add3A_308 = arith.constant 2 : i32
        %add3A_309 = arith.addi %add3A_238, %add3A_308 : i32
        %add3A_310 = arith.addi %mul3A_2, %add3A_309 : i32
        %jit3A_311 = arith.constant 8 : i32
        %div3A_312 = arith.divsi %add3A_310, %jit3A_311 : i32
        %sign3A_313 = arith.constant 0 : i32
        %sign3A_314 = arith.cmpi sgt, %add3A_310, %sign3A_313 : i32
        %sign3A_315 = arith.extui %sign3A_314 : i1 to i32
        %sign3A_316 = arith.constant 0 : i32
        %sign3A_317 = arith.cmpi slt, %add3A_310, %sign3A_316 : i32
        %sign3A_318 = arith.extui %sign3A_317 : i1 to i32
        %sign3A_319 = arith.subi %sign3A_315, %sign3A_318 : i32
        %sign3A_320 = arith.constant 0 : i32
        %sign3A_321 = arith.cmpi sgt, %jit3A_311, %sign3A_320 : i32
        %sign3A_322 = arith.extui %sign3A_321 : i1 to i32
        %sign3A_323 = arith.constant 0 : i32
        %sign3A_324 = arith.cmpi slt, %jit3A_311, %sign3A_323 : i32
        %sign3A_325 = arith.extui %sign3A_324 : i1 to i32
        %sign3A_326 = arith.subi %sign3A_322, %sign3A_325 : i32
        %ne3A_327 = arith.cmpi ne, %sign3A_319, %sign3A_326 : i32
        %rem3A_328 = arith.remsi %add3A_310, %jit3A_311 : i32
        %ne3A_329 = arith.constant 0 : i32
        %ne3A_330 = arith.cmpi ne, %rem3A_328, %ne3A_329 : i32
        %and3A_331 = arith.andi %ne3A_327, %ne3A_330 : i1
        %sub3A_332 = arith.constant 1 : i32
        %sub3A_333 = arith.subi %div3A_312, %sub3A_332 : i32
        %select_n3A_334 = arith.select %and3A_331, %sub3A_333, %div3A_312 : i32
        %jit3A_335 = arith.constant 8 : i32
        %eq3A_336 = arith.constant 0 : i32
        %eq3A_337 = arith.cmpi eq, %jit3A_335, %eq3A_336 : i32
        %jit3A_338 = arith.constant 1 : i32
        %select_n3A_339 = arith.select %eq3A_337, %jit3A_338, %jit3A_335 : i32
        %rem3A_340 = arith.remsi %add3A_310, %select_n3A_339 : i32
        %ne3A_341 = arith.constant 0 : i32
        %ne3A_342 = arith.cmpi ne, %rem3A_340, %ne3A_341 : i32
        %lt3A_343 = arith.constant 0 : i32
        %lt3A_344 = arith.cmpi slt, %rem3A_340, %lt3A_343 : i32
        %lt3A_345 = arith.constant 0 : i32
        %lt3A_346 = arith.cmpi slt, %select_n3A_339, %lt3A_345 : i32
        %ne3A_347 = arith.xori %lt3A_344, %lt3A_346 : i1
        %and3A_348 = arith.andi %ne3A_347, %ne3A_342 : i1
        %add3A_349 = arith.addi %rem3A_340, %select_n3A_339 : i32
        %select_n3A_350 = arith.select %and3A_348, %add3A_349, %rem3A_340 : i32
        %mul3A_351 = arith.constant 2048 : i32
        %mul3A_352 = arith.muli %select_n3A_350, %mul3A_351 : i32
        %dma_start3A_353 = tpu.memref_slice %arg2[%select_n3A_334, %mul3A_352] : memref<200x16384xf32, #tpu.memory_space<hbm>> -> memref<1x2048xf32, #tpu.memory_space<hbm>>
        %dma_start3A_354 = tpu.memref_squeeze %dma_start3A_353 : memref<1x2048xf32, #tpu.memory_space<hbm>> -> memref<2048xf32, #tpu.memory_space<hbm>>
        %dma_start3A_355 = tpu.memref_slice %arg2[%select_n3A_334, %mul3A_352] : memref<200x16384xf32, #tpu.memory_space<hbm>> -> memref<1x2048xf32, #tpu.memory_space<hbm>>
        %dma_start3A_356 = tpu.memref_squeeze %dma_start3A_355 : memref<1x2048xf32, #tpu.memory_space<hbm>> -> memref<2048xf32, #tpu.memory_space<hbm>>
        tpu.enqueue_dma source(%dma_start3A_356 : memref<2048xf32, #tpu.memory_space<hbm>>) target(%arg8 : memref<2048xf32, #tpu.memory_space<vmem>>) target_semaphore(%arg15 : memref<!tpu.dma_semaphore, #tpu.memory_space<semaphore_mem>>)
        %dma_start3A_357 = tpu.memref_slice %arg3[%select_n3A_334, %mul3A_352] : memref<200x16384xf32, #tpu.memory_space<hbm>> -> memref<1x2048xf32, #tpu.memory_space<hbm>>
        %dma_start3A_358 = tpu.memref_squeeze %dma_start3A_357 : memref<1x2048xf32, #tpu.memory_space<hbm>> -> memref<2048xf32, #tpu.memory_space<hbm>>
        %dma_start3A_359 = tpu.memref_slice %arg3[%select_n3A_334, %mul3A_352] : memref<200x16384xf32, #tpu.memory_space<hbm>> -> memref<1x2048xf32, #tpu.memory_space<hbm>>
        %dma_start3A_360 = tpu.memref_squeeze %dma_start3A_359 : memref<1x2048xf32, #tpu.memory_space<hbm>> -> memref<2048xf32, #tpu.memory_space<hbm>>
        tpu.enqueue_dma source(%dma_start3A_360 : memref<2048xf32, #tpu.memory_space<hbm>>) target(%arg10 : memref<2048xf32, #tpu.memory_space<vmem>>) target_semaphore(%arg17 : memref<!tpu.dma_semaphore, #tpu.memory_space<semaphore_mem>>)
      } else {
      }
      %scan3A_307 = arith.constant 0 : i32
      scf.yield %scan3A_307 : i32
    }
    %scan3A_113 = arith.constant 25 : i32
    %add3A_114 = arith.constant 0 : i32
    %add3A_115 = arith.addi %mul3A_2, %add3A_114 : i32
    %jit3A_116 = arith.constant 8 : i32
    %div3A_117 = arith.divsi %add3A_115, %jit3A_116 : i32
    %sign3A_118 = arith.constant 0 : i32
    %sign3A_119 = arith.cmpi sgt, %add3A_115, %sign3A_118 : i32
    %sign3A_120 = arith.extui %sign3A_119 : i1 to i32
    %sign3A_121 = arith.constant 0 : i32
    %sign3A_122 = arith.cmpi slt, %add3A_115, %sign3A_121 : i32
    %sign3A_123 = arith.extui %sign3A_122 : i1 to i32
    %sign3A_124 = arith.subi %sign3A_120, %sign3A_123 : i32
    %sign3A_125 = arith.constant 0 : i32
    %sign3A_126 = arith.cmpi sgt, %jit3A_116, %sign3A_125 : i32
    %sign3A_127 = arith.extui %sign3A_126 : i1 to i32
    %sign3A_128 = arith.constant 0 : i32
    %sign3A_129 = arith.cmpi slt, %jit3A_116, %sign3A_128 : i32
    %sign3A_130 = arith.extui %sign3A_129 : i1 to i32
    %sign3A_131 = arith.subi %sign3A_127, %sign3A_130 : i32
    %ne3A_132 = arith.cmpi ne, %sign3A_124, %sign3A_131 : i32
    %rem3A_133 = arith.remsi %add3A_115, %jit3A_116 : i32
    %ne3A_134 = arith.constant 0 : i32
    %ne3A_135 = arith.cmpi ne, %rem3A_133, %ne3A_134 : i32
    %and3A_136 = arith.andi %ne3A_132, %ne3A_135 : i1
    %sub3A_137 = arith.constant 1 : i32
    %sub3A_138 = arith.subi %div3A_117, %sub3A_137 : i32
    %select_n3A_139 = arith.select %and3A_136, %sub3A_138, %div3A_117 : i32
    %jit3A_140 = arith.constant 8 : i32
    %eq3A_141 = arith.constant 0 : i32
    %eq3A_142 = arith.cmpi eq, %jit3A_140, %eq3A_141 : i32
    %jit3A_143 = arith.constant 1 : i32
    %select_n3A_144 = arith.select %eq3A_142, %jit3A_143, %jit3A_140 : i32
    %rem3A_145 = arith.remsi %add3A_115, %select_n3A_144 : i32
    %ne3A_146 = arith.constant 0 : i32
    %ne3A_147 = arith.cmpi ne, %rem3A_145, %ne3A_146 : i32
    %lt3A_148 = arith.constant 0 : i32
    %lt3A_149 = arith.cmpi slt, %rem3A_145, %lt3A_148 : i32
    %lt3A_150 = arith.constant 0 : i32
    %lt3A_151 = arith.cmpi slt, %select_n3A_144, %lt3A_150 : i32
    %ne3A_152 = arith.xori %lt3A_149, %lt3A_151 : i1
    %and3A_153 = arith.andi %ne3A_152, %ne3A_147 : i1
    %add3A_154 = arith.addi %rem3A_145, %select_n3A_144 : i32
    %select_n3A_155 = arith.select %and3A_153, %add3A_154, %rem3A_145 : i32
    %mul3A_156 = arith.constant 2048 : i32
    %mul3A_157 = arith.muli %select_n3A_155, %mul3A_156 : i32
    %dma_wait3A = tpu.memref_slice %arg5[%select_n3A_139, %mul3A_157] : memref<200x16384xf32, #tpu.memory_space<hbm>> -> memref<1x2048xf32, #tpu.memory_space<hbm>>
    %dma_wait3A_158 = tpu.memref_squeeze %dma_wait3A : memref<1x2048xf32, #tpu.memory_space<hbm>> -> memref<2048xf32, #tpu.memory_space<hbm>>
    %dma_wait3A_159 = tpu.memref_slice %arg5[%select_n3A_139, %mul3A_157] : memref<200x16384xf32, #tpu.memory_space<hbm>> -> memref<1x2048xf32, #tpu.memory_space<hbm>>
    %dma_wait3A_160 = tpu.memref_squeeze %dma_wait3A_159 : memref<1x2048xf32, #tpu.memory_space<hbm>> -> memref<2048xf32, #tpu.memory_space<hbm>>
    tpu.wait_dma2 semaphore(%arg18 : memref<!tpu.dma_semaphore, #tpu.memory_space<semaphore_mem>>) src(%arg11 : memref<2048xf32, #tpu.memory_space<vmem>>) dst(%dma_wait3A_160 : memref<2048xf32, #tpu.memory_space<hbm>>)
    %dma_wait3A_161 = tpu.memref_slice %arg5[%select_n3A_139, %mul3A_157] : memref<200x16384xf32, #tpu.memory_space<hbm>> -> memref<1x2048xf32, #tpu.memory_space<hbm>>
    %dma_wait3A_162 = tpu.memref_squeeze %dma_wait3A_161 : memref<1x2048xf32, #tpu.memory_space<hbm>> -> memref<2048xf32, #tpu.memory_space<hbm>>
    %dma_wait3A_163 = tpu.memref_slice %arg5[%select_n3A_139, %mul3A_157] : memref<200x16384xf32, #tpu.memory_space<hbm>> -> memref<1x2048xf32, #tpu.memory_space<hbm>>
    %dma_wait3A_164 = tpu.memref_squeeze %dma_wait3A_163 : memref<1x2048xf32, #tpu.memory_space<hbm>> -> memref<2048xf32, #tpu.memory_space<hbm>>
    tpu.wait_dma2 semaphore(%arg19 : memref<!tpu.dma_semaphore, #tpu.memory_space<semaphore_mem>>) src(%arg12 : memref<2048xf32, #tpu.memory_space<vmem>>) dst(%dma_wait3A_164 : memref<2048xf32, #tpu.memory_space<hbm>>)
    return
  }
}

</mosaic_0001>

<sc_bundles>
// kernel: _sc_call.3.cloned.1.call-start
scs
__scs_entry_jumppad:
0x0: {  	(pc) =	sbr.rel $0x88, $3  }
0x1: {  	(tag) =	ssettag $0x0;
	lr =	simm.s32 $0x1  }
0x2: {  	[smem:$0x3F9E] =	sst lr;
	_ =	strace $0xD0000000  }
0x3: {  	_ = 	snop  }
0x4: {  	_ = 	snop  }
0x5: {  	_ = 	snop  }
0x6: {  	_ = 	snop  }
0x7: {  	_ = 	snop  }
__scs_overlays_trampoline_lowered:
0x8: {  	[smem:$0x3FAD] =	sst s0  }
0x9: {  	[smem:$0x3FAE] =	sst s1  }
0xa: {  	[smem:$0x3FAF] =	sst s2  }
0xb: {  	[smem:$0x3FB0] =	sst s3  }
0xc: {  	[smem:$0x3FB1] =	sst s4  }
0xd: {  	[smem:$0x3FB2] =	sst s5  }
0xe: {  	[smem:$0x3FB3] =	sst s6  }
0xf: {  	[smem:$0x3FB4] =	sst s7  }
0x10: {  	[smem:$0x3FB5] =	sst s8  }
0x11: {  	[smem:$0x3FB6] =	sst s9;
	s0 =	simm.s32 @!p0 $0x0  }
0x12: {  	s1 =	sld [smem:$0x3F9C];
	s0 =	simm.s32 @p0 $0x1  }
0x13: {  	[smem:$0x3FB7] =	sst s0;
	s0 =	simm.s32 @!p1 $0x0  }
0x14: {  	s2 =	sld [smem:$0x3F9B];
	s0 =	simm.s32 @p1 $0x1  }
0x15: {  	[smem:$0x3FB8] =	sst s0;
	s0 =	simm.s32 @!p2 $0x0  }
0x16: {  	s3 =	sld [smem:$0x3FDB];
	s0 =	simm.s32 @p2 $0x1  }
0x17: {  	s4 =	simm.s32 $0x1BF5;
	[smem:$0x3FBA] =	sst s0  }
0x18: {  	s0 =	sld [smem:$0x3F9D];
	_ =	swait.ge [sflag:s4], $0x0  }
0x19: {  	s7 =	sld [smem:$0x3F9E]  }
0x1a: {  	s8 =	sadd.s32 $0xFFFFE003, lr  }
0x1b: {  	s9 =	sadd.s32 $0xFFFFFEF7, lr;
	s5 =	simm.s32 $0xFFFFFFFF;
	p2 =	slt.u32 s8, $0xFFFFF086  }
0x1c: {  	p1 =	slt.u32 s9, $0xF7A;
	s5 =	simm.s32 @!p2 $0x0  }
0x1d: {  	s5 =	simm.s32 @p1 $0x1;
	p0 =	seq.s32 s7, s2  }
0x1e: {  	s7 =	smul.u32 @!p0 $0xF7A, s2;
	p2 =	seq.s32 @!p0 s5, $0x0  }
0x1f: {  	s9 =	smul.u32 $0xF7A, s1;
	s8 =	simm.s32 @!p0 $0x1BF5;
	p2 =	por !p2, p0  }
0x20: {  	[sflag:s8] =	ssyncset.s32 @!p0 $0xFFFFF086;
	s6 =	sadd.s32 @!p0 s3, s7;
	s7 =	simm.s32 @!p0 $0x108  }
0x21: {  	s3 =	sadd.s32 s3, s9;
	s6 =	sadd.s32 @!p0 $0x88, s6;
	s7 =	simm.s32 @p2 $0x1082  }
0x22: {  	[simem:s7], [sflag:s8] =	dma.local @!p0 [hbm:s6], $0xF7A  }
0x23: {  	s9 =	sor.u32 $0xD0000000, s2;
	s6 =	simm.s32 $0x108;
	_ =	swait.ge @!p0 [sflag:s8], $0x0  }
0x24: {  	s3 =	sadd.s32 $0x88, s3;
	s6 =	simm.s32 @!p1 $0x1082;
	[sflag:s4] =	ssyncset.s32 $0xFFFFF086  }
0x25: {  	[simem:s6], [sflag:s4] =	dma.local [hbm:s3], $0xF7A  }
0x26: {  	[smem:$0x3F9E] =	sst s1;
	(tag) =	ssettag s2;
	_ =	strace s9  }
0x27: {  	s1 =	sld [smem:$0x3FAE]  }
0x28: {  	s2 =	sld [smem:$0x3FAF]  }
0x29: {  	s4 =	sld [smem:$0x3FB1]  }
0x2a: {  	p0 =	seq.s32 s5, $0x0;
	s5 =	sld [smem:$0x3FB2]  }
0x2b: {  	s6 =	sld [smem:$0x3FB3]  }
0x2c: {  	s7 =	sld [smem:$0x3FB4]  }
0x2d: {  	s3 =	simm.s32 $0x108;
	s8 =	sld [smem:$0x3FB5]  }
0x2e: {  	s3 =	simm.s32 @!p0 $0x1082;
	s9 =	sld [smem:$0x3FB6]  }
0x2f: {  	lr =	sadd.s32 s0, s3;
	s0 =	sld [smem:$0x3FAD]  }
0x30: {  	s3 =	sld [smem:$0x3FB0]  }
0x31: {  	[smem:$0x3FB9] =	sst s10  }
0x32: {  	s10 =	sld [smem:$0x3FB7];
	_ =	sdelay $0x3  }
0x33: {  	p0 =	seq.s32 s10, $0x1;
	s10 =	sld [smem:$0x3FB9];
	_ =	sdelay $0x3  }
0x34: {  	[smem:$0x3FB9] =	sst s10  }
0x35: {  	s10 =	sld [smem:$0x3FB8];
	_ =	sdelay $0x3  }
0x36: {  	p1 =	seq.s32 s10, $0x1;
	s10 =	sld [smem:$0x3FB9];
	_ =	sdelay $0x3  }
0x37: {  	[smem:$0x3FB9] =	sst s10  }
0x38: {  	s10 =	sld [smem:$0x3FBA]  }
0x39: {  	_ = 	snop;
	(pc) =	sbr.ind lr, $3  }
0x3a: {  	_ = 	snop  }
0x3b: {  	_ = 	snop  }
0x3c: {  	p2 =	seq.s32 s10, $0x1;
	s10 =	sld [smem:$0x3FB9]  }
0x3d: {  	_ =	shalt  }
0x3e: {  	_ =	shalt  }
0x3f: {  	_ =	shalt  }
0x40: {  	_ =	shalt  }
0x41: {  	_ =	shalt  }
0x42: {  	_ =	shalt  }
0x43: {  	_ =	shalt  }
0x44: {  	_ =	shalt  }
0x45: {  	_ =	shalt  }
0x46: {  	_ =	shalt  }
0x47: {  	_ =	shalt  }
0x48: {  	_ =	shalt  }
0x49: {  	_ =	shalt  }
0x4a: {  	_ =	shalt  }
0x4b: {  	_ =	shalt  }
0x4c: {  	_ =	shalt  }
0x4d: {  	_ =	shalt  }
0x4e: {  	_ =	shalt  }
0x4f: {  	_ =	shalt  }
0x50: {  	_ =	shalt  }
0x51: {  	_ =	shalt  }
0x52: {  	_ =	shalt  }
0x53: {  	_ =	shalt  }
0x54: {  	_ =	shalt  }
0x55: {  	_ =	shalt  }
0x56: {  	_ =	shalt  }
0x57: {  	_ =	shalt  }
0x58: {  	_ =	shalt  }
0x59: {  	_ =	shalt  }
0x5a: {  	_ =	shalt  }
0x5b: {  	_ =	shalt  }
0x5c: {  	_ =	shalt  }
0x5d: {  	_ =	shalt  }
0x5e: {  	_ =	shalt  }
0x5f: {  	_ =	shalt  }
0x60: {  	_ =	shalt  }
0x61: {  	_ =	shalt  }
0x62: {  	_ =	shalt  }
0x63: {  	_ =	shalt  }
0x64: {  	_ =	shalt  }
0x65: {  	_ =	shalt  }
0x66: {  	_ =	shalt  }
0x67: {  	_ =	shalt  }
0x68: {  	_ =	shalt  }
0x69: {  	_ =	shalt  }
0x6a: {  	_ =	shalt  }
0x6b: {  	_ =	shalt  }
0x6c: {  	_ =	shalt  }
0x6d: {  	_ =	shalt  }
0x6e: {  	_ =	shalt  }
0x6f: {  	_ =	shalt  }
0x70: {  	_ =	shalt  }
0x71: {  	_ =	shalt  }
0x72: {  	_ =	shalt  }
0x73: {  	_ =	shalt  }
0x74: {  	_ =	shalt  }
0x75: {  	_ =	shalt  }
0x76: {  	_ =	shalt  }
0x77: {  	_ =	shalt  }
0x78: {  	_ =	shalt  }
0x79: {  	_ =	shalt  }
0x7a: {  	_ =	shalt  }
0x7b: {  	_ =	shalt  }
0x7c: {  	_ =	shalt  }
0x7d: {  	_ =	shalt  }
0x7e: {  	_ =	shalt  }
0x7f: {  	_ =	shalt  }
0x80: {  	_ =	shalt  }
0x81: {  	_ =	shalt  }
0x82: {  	_ =	shalt  }
0x83: {  	_ =	shalt  }
0x84: {  	_ =	shalt  }
0x85: {  	_ =	shalt  }
0x86: {  	_ =	shalt  }
0x87: {  	_ =	shalt  }
.Lfunc_end0:
.L_simem_size_0:
called_computation_lowered:
.L_overlay_start_0:
0x88: {  	s2 =	sld [smem:$0x3FD9]  }
0x89: {  	s3 =	sld [smem:$0x3FFE];
	_ =	sdelay $0x1  }
0x8a: {  	s1 =	srdreg.scid  }
0x8b: {  	s0 =	sand.u32 $0x1, s1  }
0x8c: {  	s18 =	sshll.u32 s0, $0xA;
	s2 =	sadd.s32 s3, s2  }
0x8d: {  	s2 =	sadd.s32 s2, s18  }
0x8e: {  	[smem:$0x3FC5] =	sst s2  }
0x8f: {  	_ = 	snop  }
0x90: {  	s2 =	sld [smem:$0x3FC9]  }
0x91: {  	s19 =	sld [smem:$0x3FC8]  }
0x92: {  	s4 =	sld [smem:$0x3FC7]  }
0x93: {  	s5 =	sld [smem:$0x3FD0];
	(tm) =	ssettm $0x1  }
0x94: {  	s6 =	sld [smem:$0x3FFB];
	_ =	sdelay $0x3  }
0x95: {  	_ =	strace s6  }
0x96: {  	s6 =	sld [smem:$0x3FFC];
	_ =	sdelay $0x3  }
0x97: {  	_ =	strace s6  }
0x98: {  	s6 =	sld [smem:$0x3FFD];
	_ =	sdelay $0x3  }
0x99: {  	_ =	strace s6  }
0x9a: {  	_ =	strace $0x8FFFFFFF  }
0x9b: {  	s20 =	sld [smem:$0x3FDB];
	_ =	sdelay $0x1  }
0x9c: {  	s7 =	simm.s32 $_scs_section_size  }
0x9d: {  	s8 =	simm.s32 $_size__tile_overlayer_lowered;
	s9 =	simm.s32 $_tile_overlayer_lowered  }
0x9e: {  	s23 =	simm.s32 $0x1BFF;
	s22 =	sshll.u32 s9, $0x1;
	s6 =	sadd.s32 s7, s20  }
0x9f: {  	s10 =	simm.s32 $0x0;
	s21 =	sshll.u32 s8, $0x1;
	s8 =	sadd.s32 s22, s6  }
0xa0: {  	[timem:s10], [sflag:s23] =	dma.local [hbm:s8], s21  }
0xa1: {  	_ =	swait.ge [sflag:s23], s21  }
0xa2: {  	s7 =	ssub.s32 $0x0, s21;
	[sflag:s23] =	ssyncset.done $0x0  }
0xa3: {  	[sflag:s23] =	ssyncadd.s32 s7;
	_ =	sdelay $0x1  }
0xa4: {  	s24 =	simm.s32 $0x1B8B  }
0xa5: {  	_ =	swait.ge [sflag:s24], $0x1  }
0xa6: {  	[sflag:s24] =	ssyncset.done $0x0  }
0xa7: {  	s25 =	simm.s32 $0x1B8E;
	[sflag:s24] =	ssyncadd.s32 $0xFFFFFFFF  }
0xa8: {  	s26 =	simm.s32 $execute0_lowered;
	[smem:$0x3FD2] =	sst s25  }
0xa9: {  	s7 =	sshll.u32 s26, $0x1;
	_ =	strace $0x80000046;
	[dreg:$0x1] =	wrdreg $0xFFFFFFFF  }
0xaa: {  	s28 =	simm.s32 $_size_execute0_lowered;
	s6 =	sadd.s32 s6, s7;
	[dreg:$0x0] =	wrdreg $0x0  }
0xab: {  	s7 =	sshll.u32 s28, $0x1;
	[dreg:$0x2] =	wrdreg s6  }
0xac: {  	[dreg:$0x3] =	wrdreg s7  }
0xad: {  	[dreg:$0x4] =	wrdreg $0xC0  }
0xae: {  	_ =	task [dreg:s10], $0x5FFFF  }
0xaf: {  	[dreg:$0x1] =	wrdreg $0xFFFFFFFF  }
0xb0: {  	[dreg:$0x0] =	wrdreg $0x60  }
0xb1: {  	[dreg:$0x2] =	wrdreg s2  }
0xb2: {  	[dreg:$0x3] =	wrdreg s19  }
0xb3: {  	[dreg:$0x4] =	wrdreg s4  }
0xb4: {  	[dreg:$0x5] =	wrdreg s5  }
0xb5: {  	[dreg:$0x6] =	wrdreg $0x9  }
0xb6: {  	_ =	task.clear_ibuf [dreg:s10], $0x7FFFF;
	_ =	strace $0x90000046  }
0xb7: {  	s29 =	simm.s32 $0x9;
	_ =	strace $0x80000048  }
0xb8: {  	_ =	swait.ge [sflag:s29], $0x1  }
0xb9: {  	[sflag:s29] =	ssyncadd.s32 $0xFFFFFFFF  }
0xba: {  	_ =	strace $0x90000048  }
0xbb: {  	_ =	sfence  }
0xbc: {  	s30 =	sld [smem:$0x0];
	_ =	sdelay $0x2  }
0xbd: {  	s31 =	sshll.u32 s1, $0xD;
	s1 =	sshrl.u32 s1, $0x2  }
0xbe: {  	s3 =	sand.u32 $0x4000, s31;
	s1 =	sadd.s32 s1, s30  }
0xbf: {  	s0 =	sor.u32 s3, s0;
	s1 =	sshll.u32 s1, $0x11  }
0xc0: {  	s0 =	sor.u32 s1, s0  }
0xc1: {  	s0 =	sadd.s32 $0x8F2B, s0  }
0xc2: {  	[sflag:s0] =	ssyncadd.remote.s32 $0x1  }
0xc3: {  	_ =	sfence.sel $0xFFFF  }
0xc4: {  	[dreg:$0x0] =	wrdreg $0xFFFFFFFF;
	(pc) =	sbr.abs _section_cstart, $3  }
0xc5: {  	[dreg:$0x1] =	wrdreg $0xFFFFFFFF  }
0xc6: {  	_ =	task.clear_ibuf [dreg:s10], $0x2FFFF;
	_ =	strace $0x9FFFFFFF  }
0xc7: {  	(tm) =	ssettm $0x7FFFFFFF  }
tec
execute0_lowered:
.L_overlay_start_1:
0x0: {  	(tag) =	ssettag $0x1  }
0x1: {  	s1 =	rddreg [dreg:$0x0]  }
0x2: {  	s2 =	rddreg [dreg:$0x1];
	s0 =	srdreg.scid  }
0x3: {  	s3 =	stileid.u32;
	s5 =	rddreg [dreg:$0x3]  }
0x4: {  	s6 =	simm.s32 $0x0;
	s15 =	simm.s32 $0x80;
	s16 =	simm.s32 $0x400  }
0x5: {  	s19 =	simm.s32 $0x10800;
	s20 =	simm.s32 $0x11800;
	s21 =	simm.s32 $0x1  }
0x6: {  	s22 =	simm.s32 $0x2;
	s0 =	sand.u32 $0x1, s0;
	s3 =	sshll.u32 s3, $0x1  }
0x7: {  	s23 =	simm.s32 $0x4;
	s28 =	simm.s32 $0x12800;
	s3 =	sor.u32 s0, s3  }
0x8: {  	s29 =	simm.s32 $0x6;
	s30 =	simm.s32 $0x7;
	s7 =	smul.u32 $0x32, s3  }
0x9: {  	s31 =	simm.s32 $0x0;
	[smem:$0x7FF] =	sst s6;
	s0 =	ssub.s32 $0x2, s0  }
0xa: {  	_ =	strace $0x80000047;
	s3 =	sshll.u32 s3, $0xC;
	s4 =	sshll.u32 s7, $0x8  }
0xb: {  	s3 =	sand.u32 $0x3000, s3;
	s8 =	sshll.u32 s7, $0x1;
	s4 =	sand.u32 $0x7C000, s4  }
0xc: {  	s9 =	sshrl.u32 s0, $0x1;
	s24 =	sand.u32 $0x70, s8;
	s3 =	sor.u32 s3, s4  }
0xd: {  	s0 =	ssub.s32 s0, s9;
	s12 =	sadd.s32 $0x2, s7;
	s3 =	sor.u32 s24, s3  }
.Ltmp0:
0xe: {  	s13 =	sadd.s32 $0x3, s7;
	s4 =	sadd.s32 s1, s3;
	(pc) =	sbr.rel .LBB2_1-.Ltmp0, $4  }
0xf: {  	s25 =	sadd.s32 s2, s3;
	s3 =	sor.u32 $0x800, s3;
	[dreg:$0x5] =	wrdreg s4  }
0x10: {  	s14 =	smax.u32 s0, $0x1;
	[dreg:$0x6] =	wrdreg s25;
	s26 =	sadd.s32 s1, s3  }
0x11: {  	s24 =	simm.s32 $0x12000;
	s3 =	sadd.s32 s2, s3;
	[dreg:$0x7] =	wrdreg s26  }
0x12: {  	s25 =	simm.s32 $0x3;
	[dreg:$0x8] =	wrdreg s3;
	s26 =	simm.s32 $0x5  }
.LBB2_8:
0x13: {  	s31 =	sadd.s32 $0x1, s31  }
0x14: {  	_ =	swait.ge [sflag:s29], $0x800;
	p0 =	sne.s32 s31, s14  }
.Ltmp1:
0x15: {  	[sflag:s29] =	ssyncset.done $0x0;
	(pc) =	sbr.rel @!p0 .LBB2_9-.Ltmp1, $4  }
0x16: {  	[sflag:s29] =	ssyncadd.s32 $0xFFFFF800  }
0x17: {  	_ =	swait.ge [sflag:s30], $0x800  }
0x18: {  	[sflag:s30] =	ssyncset.done $0x0  }
0x19: {  	[sflag:s30] =	ssyncadd.s32 $0xFFFFF800  }
.LBB2_1:
0x1a: {  	s0 =	rddreg [dreg:$0x2]  }
0x1b: {  	[tilespmem:s6], [sflag:$0x1] =	stream.linear.gather [hbm4b:s0+s6], $0x10000, $0x38;
	[tilespmem:$0x13000] =	vst v63  }
0x1c: {  	s4 =	rddreg [dreg:$0x5];
	s3 =	simm.s32 $0x10000  }
0x1d: {  	[tilespmem:s3], [sflag:$0x2] =	stream.strided.gather [hbm4b:s4+s15], $0x800, s16, s15, $0x38;
	[tilespmem:$0x13000] =	vst v63  }
0x1e: {  	s8 =	rddreg [dreg:$0x6];
	s9 =	simm.s32 $0x11000  }
0x1f: {  	[tilespmem:s9], [sflag:$0x4] =	stream.strided.gather [hbm4b:s8+s15], $0x800, s16, s15, $0x38;
	[tilespmem:$0x13000] =	vst v63  }
0x20: {  	s10 =	rddreg [dreg:$0x7]  }
0x21: {  	[tilespmem:s19], [sflag:$0x3] =	stream.strided.gather [hbm4b:s10+s15], $0x800, s16, s15, $0x38;
	[tilespmem:$0x13000] =	vst v63  }
0x22: {  	s11 =	rddreg [dreg:$0x8]  }
0x23: {  	[tilespmem:s20], [sflag:$0x5] =	stream.strided.gather [hbm4b:s11+s15], $0x800, s16, s15, $0x38;
	[tilespmem:$0x13000] =	vst v63  }
0x24: {  	_ =	swait.ge [sflag:s21], $0x10000  }
0x25: {  	[sflag:s21] =	ssyncset.done $0x0  }
0x26: {  	[sflag:s21] =	ssyncadd.s32 $0xFFFF0000  }
0x27: {  	v0 =	vld [tilespmem:$0x0]  }
0x28: {  	v1 =	vld [tilespmem:$0xFFF0];
	_ =	sdelay $0x3  }
0x29: {  	(v2sf) =	vpush v0, $0x0  }
0x2a: {  	(v2sf) =	vpush v1, $0xF;
	_ =	sdelay $0xd  }
0x2b: {  	s17 =	spop (v2sf)  }
0x2c: {  	s18 =	spop (v2sf)  }
0x2d: {  	s3 =	ssub.f32 s18, s17;
	_ =	sdelay $0x1  }
0x2e: {  	v63 =	vmov s3  }
0x2f: {  	(erf) = vrcp.f32 v63;
	_ =	sdelay $0x7  }
0x30: {  	s0 =	ssub.f32 $0.0e+00, s17  }
0x31: {  	v61 =	vpop (erf)  }
0x32: {  	v58 =	vmul.f32 s0, v61  }
0x33: {  	[tilespmem:$0x1FFE0] =	vst v61  }
0x34: {  	s3 =	simm.s32 $0x0;
	[tilespmem:$0x1FFF0] =	vst v58  }
.LBB2_2:
0x35: {  	_ =	swait.ge [sflag:s22], $0x800  }
0x36: {  	[sflag:s22] =	ssyncset.done $0x0  }
0x37: {  	[sflag:s22] =	ssyncadd.s32 $0xFFFFF800  }
0x38: {  	_ =	swait.ge [sflag:s23], $0x800  }
0x39: {  	p0 =	seq.s32 s3, $0x0;
	[sflag:s23] =	ssyncset.done $0x0  }
0x3a: {  	s0 =	simm.s32 @!p0 $0x6;
	[sflag:s23] =	ssyncadd.s32 $0xFFFFF800  }
0x3b: {  	_ =	swait.ge @!p0 [sflag:s0], $0x800  }
0x3c: {  	[sflag:s0] =	ssyncset.done @!p0 $0x0  }
0x3d: {  	s11 =	simm.s32 $0x10080;
	[sflag:s0] =	ssyncadd.s32 @!p0 $0xFFFFF800  }
0x3e: {  	v2 =	vld [tilespmem:s11+$0x70]  }
0x3f: {  	v3 =	vld [tilespmem:s11+$0xFFFFFF90]  }
0x40: {  	v4 =	vld [tilespmem:s11+$0xFFFFFFA0]  }
0x41: {  	v5 =	vld [tilespmem:s11+$0xFFFFFFB0]  }
0x42: {  	v6 =	vld [tilespmem:s11+$0xFFFFFFC0]  }
0x43: {  	v7 =	vld [tilespmem:s11+$0xFFFFFFD0]  }
0x44: {  	v8 =	vld [tilespmem:s11+$0xFFFFFFE0];
	_ =	sdelay $0x1  }
0x45: {  	v2 =	vmul.f32 $6.553500000e+04, v2;
	v13 =	vmul.f32 $6.553500000e+04, v3  }
0x46: {  	v14 =	vmul.f32 $6.553500000e+04, v4;
	v15 =	vmul.f32 $6.553500000e+04, v5  }
0x47: {  	v18 =	vmul.f32 $6.553500000e+04, v6;
	v20 =	vmul.f32 $6.553500000e+04, v7  }
0x48: {  	v24 =	vld [tilespmem:s11+$0x40];
	v10 =	vmul.f32 $6.553500000e+04, v8;
	v4 =	vtrunc.f32 v2  }
0x49: {  	v3 =	vld [tilespmem:s11+$0xFFFFFFF0];
	v17 =	vtrunc.f32 v13;
	v19 =	vtrunc.f32 v14  }
0x4a: {  	v5 =	vld [tilespmem:s11+$0x0];
	v21 =	vtrunc.f32 v15;
	v23 =	vtrunc.f32 v18  }
0x4b: {  	v6 =	vld [tilespmem:s11+$0x20];
	v25 =	vtrunc.f32 v20;
	v27 =	vtrunc.f32 v10  }
0x4c: {  	v26 =	vld [tilespmem:s11+$0x50];
	v16 =	vcvt.f32.s32 v4;
	v17 =	vcvt.f32.s32 v17  }
0x4d: {  	v19 =	vcvt.f32.s32 v19;
	v21 =	vcvt.f32.s32 v21  }
0x4e: {  	v23 =	vcvt.f32.s32 v23;
	v25 =	vcvt.f32.s32 v25  }
0x4f: {  	v22 =	vld [tilespmem:s11+$0x30];
	v27 =	vcvt.f32.s32 v27;
	v11 =	vmul.f32 $6.553500000e+04, v3  }
0x50: {  	v28 =	vld [tilespmem:s11+$0x60];
	v12 =	vmul.f32 $6.553500000e+04, v5;
	v8 =	vmul.f32 $6.553500000e+04, v6  }
0x51: {  	v4 =	vld [tilespmem:s11+$0x10];
	v7 =	vadd.s32 $0x1, v16;
	v5 =	vmul.f32 $6.553500000e+04, v24;
	v6 =	vmul.f32 $6.553500000e+04, v26  }
0x52: {  	v29 =	vld [tilespmem:s11+$0xFFFFFF80];
	v37 =	vadd.s32 $0x1, v19;
	v38 =	vadd.s32 $0x1, v21;
	v39 =	vadd.s32 $0x1, v23  }
0x53: {  	v41 =	vadd.s32 $0x1, v25;
	vm0 =	vlt.s32 v7, $0xFFFF;
	v30 =	vtrunc.f32 v11  }
0x54: {  	v3 =	vnsel vm0, $0xFFFF, v7;
	v31 =	vtrunc.f32 v12;
	v7 =	vmul.f32 $6.553500000e+04, v22  }
0x55: {  	v43 =	vadd.s32 $0x1, v27;
	v24 =	vtrunc.f32 v8;
	v33 =	vtrunc.f32 v6  }
0x56: {  	vm3 =	vlt.s32 v37, $0xFFFF;
	v9 =	vmul.f32 $6.553500000e+04, v4;
	v4 =	vmul.f32 $6.553500000e+04, v28  }
0x57: {  	vm4 =	vlt.s32 v38, $0xFFFF;
	v28 =	vmul.f32 $6.553500000e+04, v29;
	v29 =	vtrunc.f32 v5  }
0x58: {  	vm5 =	vlt.s32 v39, $0xFFFF;
	v30 =	vcvt.f32.s32 v30;
	v31 =	vcvt.f32.s32 v31;
	v22 =	vld.idx.msk [tilespmem:v16+s6+$0x0], $0xffff  }
0x59: {  	vm6 =	vlt.s32 v41, $0xFFFF;
	v24 =	vcvt.f32.s32 v24;
	v33 =	vcvt.f32.s32 v33;
	v42 =	vld.idx.msk [tilespmem:v19+s6+$0x0], $0xffff  }
0x5a: {  	vm1 =	vlt.s32 v43, $0xFFFF;
	v26 =	vtrunc.f32 v7;
	v16 =	vcvt.s32.f32 v16;
	v44 =	vld.idx.msk [tilespmem:v21+s6+$0x0], $0xffff  }
0x5b: {  	v37 =	vnsel vm3, $0xFFFF, v37;
	v29 =	vcvt.f32.s32 v29;
	v48 =	vld.idx.msk [tilespmem:v23+s6+$0x0], $0xffff;
	v19 =	vcvt.s32.f32 v19  }
0x5c: {  	v38 =	vnsel vm4, $0xFFFF, v38;
	v52 =	vld.idx.msk [tilespmem:v25+s6+$0x0], $0xffff;
	v21 =	vcvt.s32.f32 v21;
	v23 =	vcvt.s32.f32 v23  }
0x5d: {  	v39 =	vnsel vm5, $0xFFFF, v39;
	v55 =	vld.idx.msk [tilespmem:v27+s6+$0x0], $0xffff;
	v25 =	vcvt.s32.f32 v25;
	v27 =	vcvt.s32.f32 v27  }
0x5e: {  	v41 =	vnsel vm6, $0xFFFF, v41;
	v32 =	vtrunc.f32 v9;
	v34 =	vtrunc.f32 v28  }
0x5f: {  	s17 =	simm.s32 $0x11080;
	v43 =	vnsel vm1, $0xFFFF, v43;
	v35 =	vtrunc.f32 v4;
	v26 =	vcvt.f32.s32 v26  }
0x60: {  	s18 =	simm.s32 $0x10180;
	v60 =	vld [tilespmem:s17+$0x70];
	v45 =	vadd.s32 $0x1, v30;
	v46 =	vadd.s32 $0x1, v31;
	v49 =	vadd.s32 $0x1, v24  }
0x61: {  	v59 =	vld [tilespmem:s18+$0xFFFFFFC0];
	v53 =	vadd.s32 $0x1, v33;
	v2 =	vsub.f32 v2, v16;
	v16 =	vcvt.f32.s32 v34  }
0x62: {  	v40 =	vld.idx.msk [tilespmem:v17+s6+$0x0], $0xffff;
	v32 =	vcvt.f32.s32 v32;
	v35 =	vcvt.f32.s32 v35;
	v51 =	vadd.s32 $0x1, v29  }
0x63: {  	vm13 =	vlt.s32 v45, $0xFFFF;
	vm7 =	vlt.s32 v46, $0xFFFF;
	v14 =	vsub.f32 v14, v19;
	v3 =	vld.idx.msk [tilespmem:v3+s6+$0x0], $0xffff  }
0x64: {  	vm9 =	vlt.s32 v49, $0xFFFF;
	v15 =	vsub.f32 v15, v21;
	v18 =	vsub.f32 v18, v23;
	v37 =	vld.idx.msk [tilespmem:v37+s6+$0x0], $0xffff  }
0x65: {  	v20 =	vsub.f32 v20, v25;
	vm10 =	vlt.s32 v53, $0xFFFF;
	v10 =	vsub.f32 v10, v27;
	v38 =	vld.idx.msk [tilespmem:v38+s6+$0x0], $0xffff  }
0x66: {  	v50 =	vadd.s32 $0x1, v26;
	vm15 =	vlt.s32 v51, $0xFFFF;
	v45 =	vnsel vm13, $0xFFFF, v45;
	v39 =	vld.idx.msk [tilespmem:v39+s6+$0x0], $0xffff  }
0x67: {  	v46 =	vnsel vm7, $0xFFFF, v46;
	v49 =	vnsel vm9, $0xFFFF, v49;
	v53 =	vnsel vm10, $0xFFFF, v53;
	v41 =	vld.idx.msk [tilespmem:v41+s6+$0x0], $0xffff  }
0x68: {  	v43 =	vld.idx.msk [tilespmem:v43+s6+$0x0], $0xffff;
	v36 =	vadd.s32 $0x1, v16;
	v47 =	vadd.s32 $0x1, v32;
	v54 =	vadd.s32 $0x1, v35  }
0x69: {  	vm14 =	vlt.s32 v50, $0xFFFF;
	v51 =	vnsel vm15, $0xFFFF, v51;
	vm12 =	vlt.s32 v36, $0xFFFF;
	v56 =	vld.idx.msk [tilespmem:v30+s6+$0x0], $0xffff  }
0x6a: {  	vm8 =	vlt.s32 v47, $0xFFFF;
	v19 =	vld.idx.msk [tilespmem:v24+s6+$0x0], $0xffff;
	vm11 =	vlt.s32 v54, $0xFFFF;
	v30 =	vcvt.s32.f32 v30  }
0x6b: {  	v63 =	vld.idx.msk [tilespmem:v33+s6+$0x0], $0xffff;
	v50 =	vnsel vm14, $0xFFFF, v50;
	v24 =	vcvt.s32.f32 v24;
	v33 =	vcvt.s32.f32 v33  }
0x6c: {  	v36 =	vnsel vm12, $0xFFFF, v36;
	v23 =	vld.idx.msk [tilespmem:v29+s6+$0x0], $0xffff;
	v54 =	vnsel vm11, $0xFFFF, v54;
	v29 =	vcvt.s32.f32 v29  }
0x6d: {  	v21 =	vld.idx.msk [tilespmem:v26+s6+$0x0], $0xffff;
	v26 =	vcvt.s32.f32 v26;
	v11 =	vsub.f32 v11, v30;
	v8 =	vsub.f32 v8, v24  }
0x6e: {  	v6 =	vsub.f32 v6, v33;
	v3 =	vsub.f32 v3, v22;
	v62 =	vld.idx.msk [tilespmem:v16+s6+$0x0], $0xffff;
	v16 =	vcvt.s32.f32 v16  }
0x6f: {  	v25 =	vld.idx.msk [tilespmem:v35+s6+$0x0], $0xffff;
	v37 =	vsub.f32 v37, v42;
	v35 =	vcvt.s32.f32 v35;
	v38 =	vsub.f32 v38, v44  }
0x70: {  	v27 =	vsub.f32 v39, v48;
	v30 =	vld.idx.msk [tilespmem:v49+s6+$0x0], $0xffff;
	v49 =	vsub.f32 v41, v52;
	v39 =	vmul.f32 $6.553500000e+04, v59  }
0x71: {  	v45 =	vld.idx.msk [tilespmem:v45+s6+$0x0], $0xffff;
	v5 =	vsub.f32 v5, v29;
	v2 =	vmul.f32 v3, v2;
	v3 =	vmul.f32 $2.999999930e-02, v60  }
0x72: {  	v16 =	vsub.f32 v28, v16;
	v28 =	vld.idx.msk [tilespmem:v31+s6+$0x0], $0xffff;
	v31 =	vcvt.s32.f32 v31;
	v14 =	vmul.f32 v37, v14  }
0x73: {  	v24 =	vld.idx.msk [tilespmem:v53+s6+$0x0], $0xffff;
	v7 =	vsub.f32 v7, v26;
	v15 =	vmul.f32 v38, v15;
	v18 =	vmul.f32 v27, v18  }
0x74: {  	v46 =	vld.idx.msk [tilespmem:v46+s6+$0x0], $0xffff;
	v20 =	vmul.f32 v49, v20;
	v4 =	vsub.f32 v4, v35;
	v2 =	vadd.f32 v2, v22  }
0x75: {  	v22 =	vadd.s32 $0x1, v17;
	v12 =	vsub.f32 v12, v31;
	v31 =	vld.idx.msk [tilespmem:v50+s6+$0x0], $0xffff;
	v50 =	vsub.f32 v43, v55  }
0x76: {  	v27 =	vld.idx.msk [tilespmem:v51+s6+$0x0], $0xffff;
	v17 =	vcvt.s32.f32 v17;
	v14 =	vadd.f32 v14, v42;
	v15 =	vadd.f32 v15, v44  }
0x77: {  	v36 =	vld.idx.msk [tilespmem:v36+s6+$0x0], $0xffff;
	v18 =	vadd.f32 v18, v48;
	v20 =	vadd.f32 v20, v52;
	vm2 =	vlt.s32 v22, $0xFFFF  }
0x78: {  	v26 =	vld.idx.msk [tilespmem:v54+s6+$0x0], $0xffff;
	v29 =	vsub.f32 v30, v19;
	v24 =	vsub.f32 v24, v63;
	v2 =	vmul.f32 v2, v61  }
0x79: {  	v13 =	vsub.f32 v13, v17;
	v17 =	vld.idx.msk [tilespmem:v32+s6+$0x0], $0xffff;
	v32 =	vcvt.s32.f32 v32;
	v10 =	vmul.f32 v50, v10  }
0x7a: {  	v51 =	vsub.f32 v45, v56;
	v14 =	vmul.f32 v14, v61;
	v8 =	vmul.f32 v29, v8;
	v29 =	vld [tilespmem:s17+$0xFFFFFFA0]  }
0x7b: {  	v22 =	vnsel vm2, $0xFFFF, v22;
	v18 =	vmul.f32 v18, v61;
	v6 =	vmul.f32 v24, v6;
	v24 =	vld [tilespmem:s17+$0xFFFFFFD0]  }
0x7c: {  	v20 =	vmul.f32 v20, v61;
	v53 =	vsub.f32 v46, v28;
	v10 =	vadd.f32 v10, v55;
	v55 =	vld [tilespmem:s18+$0xFFFFFF90]  }
0x7d: {  	v11 =	vmul.f32 v51, v11;
	v26 =	vsub.f32 v26, v25;
	v30 =	vsub.f32 v31, v21;
	v31 =	vld [tilespmem:s17+$0xFFFFFF80]  }
0x7e: {  	v36 =	vsub.f32 v36, v62;
	v8 =	vadd.f32 v8, v19;
	v19 =	vmul.f32 v15, v61;
	v15 =	vld [tilespmem:s17+$0x0]  }
0x7f: {  	v47 =	vnsel vm8, $0xFFFF, v47;
	v12 =	vmul.f32 v53, v12;
	v4 =	vmul.f32 v26, v4;
	v26 =	vld [tilespmem:s17+$0xFFFFFFE0]  }
0x80: {  	v11 =	vadd.f32 v11, v56;
	v6 =	vadd.f32 v6, v63;
	v16 =	vmul.f32 v36, v16;
	v22 =	vld.idx.msk [tilespmem:v22+s6+$0x0], $0xffff  }
0x81: {  	v10 =	vmul.f32 v10, v61;
	v7 =	vmul.f32 v30, v7;
	v30 =	vld [tilespmem:s17+$0xFFFFFFB0];
	v12 =	vadd.f32 v12, v28  }
0x82: {  	v11 =	vmul.f32 v11, v61;
	v34 =	vmul.f32 v6, v61;
	v6 =	vld [tilespmem:s17+$0x50];
	v4 =	vadd.f32 v4, v25  }
0x83: {  	v25 =	vmul.f32 v8, v61;
	v29 =	vmul.f32 $2.999999930e-02, v29;
	v7 =	vadd.f32 v7, v21;
	v21 =	vld [tilespmem:s17+$0x10]  }
0x84: {  	v16 =	vadd.f32 v16, v62;
	v24 =	vmul.f32 $2.999999930e-02, v24;
	v28 =	vmul.f32 v12, v61;
	v12 =	vld [tilespmem:s18+$0x70]  }
0x85: {  	v8 =	vmul.f32 $2.999999930e-02, v31;
	v31 =	vmul.f32 v4, v61;
	v4 =	vld [tilespmem:s17+$0x60];
	v22 =	vsub.f32 v22, v40  }
0x86: {  	v9 =	vsub.f32 v9, v32;
	v35 =	vmul.f32 $6.553500000e+04, v55;
	v33 =	vmul.f32 v7, v61;
	v7 =	vld [tilespmem:s17+$0x40]  }
0x87: {  	v2 =	vadd.f32 v2, v3;
	v16 =	vmul.f32 v16, v61;
	v13 =	vmul.f32 v22, v13;
	v22 =	vld.idx.msk [tilespmem:v47+s6+$0x0], $0xffff  }
0x88: {  	v38 =	vmul.f32 $2.999999930e-02, v15;
	v15 =	vadd.f32 v14, v29;
	v26 =	vmul.f32 $2.999999930e-02, v26  }
0x89: {  	v60 =	vld [tilespmem:s18+$0x50];
	v2 =	vadd.f32 v2, v58;
	v30 =	vmul.f32 $2.999999930e-02, v30;
	v43 =	vmul.f32 $2.999999930e-02, v6  }
0x8a: {  	v6 =	vld [tilespmem:s18+$0xFFFFFFE0];
	v15 =	vadd.f32 v15, v58;
	v10 =	vadd.f32 v10, v26;
	v42 =	vmul.f32 $6.553500000e+04, v12  }
0x8b: {  	v21 =	vmul.f32 $2.999999930e-02, v21;
	v12 =	vadd.f32 v16, v8;
	v8 =	vld [tilespmem:s18+$0x0];
	v44 =	vmul.f32 $2.999999930e-02, v4  }
0x8c: {  	v4 =	vld [tilespmem:s18+$0xFFFFFFF0];
	v41 =	vmul.f32 $2.999999930e-02, v7;
	v7 =	vtrunc.f32 v42;
	v22 =	vsub.f32 v22, v17  }
0x8d: {  	v16 =	vadd.f32 v19, v30;
	v30 =	vtrunc.f32 v35;
	v36 =	vcvt.f32.s32 v7;
	v7 =	vld [tilespmem:s18+$0x10]  }
0x8e: {  	v56 =	vld [tilespmem:s18+$0xFFFFFFA0];
	v47 =	vtrunc.f32 v39;
	v9 =	vmul.f32 v22, v9;
	v22 =	vsub.f32 v27, v23  }
0x8f: {  	v30 =	vcvt.f32.s32 v30;
	v13 =	vadd.f32 v13, v40;
	v46 =	vmul.f32 $6.553500000e+04, v6;
	v27 =	vld [tilespmem:s17+$0xFFFFFF90]  }
0x90: {  	v10 =	vadd.f32 v10, v58;
	v50 =	vmul.f32 $6.553500000e+04, v8;
	v5 =	vmul.f32 v22, v5;
	v22 =	vld [tilespmem:s17+$0xFFFFFFC0]  }
0x91: {  	v13 =	vmul.f32 v13, v61;
	v48 =	vmul.f32 $6.553500000e+04, v4;
	v9 =	vadd.f32 v9, v17;
	v17 =	vld [tilespmem:s17+$0xFFFFFFF0]  }
0x92: {  	v12 =	vadd.f32 v12, v58;
	v6 =	vld [tilespmem:s18+$0x30];
	v37 =	vtrunc.f32 v50;
	v52 =	vmul.f32 $6.553500000e+04, v7  }
0x93: {  	v63 =	vtrunc.f32 v48;
	v5 =	vadd.f32 v5, v23;
	v23 =	vld [tilespmem:s17+$0x20];
	v32 =	vmul.f32 v9, v61  }
0x94: {  	v16 =	vadd.f32 v16, v58;
	v37 =	vcvt.f32.s32 v37;
	v9 =	vld [tilespmem:s17+$0x30];
	v27 =	vmul.f32 $2.999999930e-02, v27  }
0x95: {  	v3 =	vld [tilespmem:s18+$0xFFFFFFD0];
	v5 =	vmul.f32 v5, v61;
	v8 =	vadd.f32 v32, v21;
	v32 =	vmul.f32 $6.553500000e+04, v60  }
0x96: {  	v60 =	vadd.s32 $0x1, v30;
	v22 =	vmul.f32 $2.999999930e-02, v22;
	v57 =	vmul.f32 $2.999999930e-02, v17  }
0x97: {  	v13 =	vadd.f32 v13, v27;
	v27 =	vmul.f32 $6.553500000e+04, v56;
	vm14 =	vlt.s32 v60, $0xFFFF  }
0x98: {  	v56 =	vmul.f32 $6.553500000e+04, v6;
	v5 =	vadd.f32 v5, v41;
	v41 =	vnsel vm14, $0xFFFF, v60  }
0x99: {  	v26 =	vld [tilespmem:s18+$0xFFFFFF80];
	v23 =	vmul.f32 $2.999999930e-02, v23;
	v40 =	vmul.f32 $2.999999930e-02, v9;
	v14 =	vadd.f32 v18, v22  }
0x9a: {  	v4 =	vld [tilespmem:s18+$0x40];
	v18 =	vtrunc.f32 v27;
	v22 =	vmul.f32 $6.553500000e+04, v3;
	v9 =	vadd.s32 $0x1, v36  }
0x9b: {  	v17 =	vld [tilespmem:s18+$0xFFFFFFB0];
	v11 =	vadd.f32 v11, v57;
	v57 =	vadd.f32 v28, v38;
	v38 =	vtrunc.f32 v52  }
0x9c: {  	v28 =	vld.idx.msk [tilespmem:v36+s6+$0x0], $0xffff;
	v36 =	vcvt.s32.f32 v36;
	vm12 =	vlt.s32 v9, $0xFFFF;
	v38 =	vcvt.f32.s32 v38  }
0x9d: {  	v19 =	vnsel vm12, $0xFFFF, v9;
	v49 =	vtrunc.f32 v22;
	v7 =	vadd.f32 v25, v23  }
0x9e: {  	v23 =	vtrunc.f32 v56;
	v6 =	vadd.f32 v33, v40;
	v25 =	vmul.f32 $6.553500000e+04, v26  }
0x9f: {  	v3 =	vld [tilespmem:s18+$0x20];
	v33 =	vtrunc.f32 v32;
	v36 =	vsub.f32 v42, v36;
	v42 =	vcvt.f32.s32 v63  }
0xa0: {  	v29 =	vmul.f32 $6.553500000e+04, v17;
	v17 =	vadd.f32 v20, v24;
	v24 =	vtrunc.f32 v46  }
0xa1: {  	v8 =	vadd.f32 v8, v58;
	v20 =	vmul.f32 $6.553500000e+04, v4;
	v23 =	vcvt.f32.s32 v23  }
0xa2: {  	v62 =	vld [tilespmem:s18+$0x60];
	v13 =	vadd.f32 v13, v58;
	v33 =	vcvt.f32.s32 v33;
	v51 =	vtrunc.f32 v25  }
0xa3: {  	v5 =	vadd.f32 v5, v58;
	v24 =	vcvt.f32.s32 v24;
	v45 =	vtrunc.f32 v29  }
0xa4: {  	v4 =	vadd.f32 v34, v43;
	v55 =	vmul.f32 $6.553500000e+04, v3;
	v34 =	vcvt.f32.s32 v51;
	v3 =	vld.idx.msk [tilespmem:v19+s6+$0x0], $0xffff  }
0xa5: {  	v6 =	vadd.f32 v6, v58;
	v26 =	vtrunc.f32 v20;
	v43 =	vcvt.f32.s32 v45  }
0xa6: {  	v45 =	vcvt.f32.s32 v49;
	v26 =	vcvt.f32.s32 v26;
	v59 =	vadd.s32 $0x1, v34  }
0xa7: {  	v21 =	vtrunc.f32 v55;
	v19 =	vmul.f32 $6.553500000e+04, v62;
	vm13 =	vlt.s32 v59, $0xFFFF  }
0xa8: {  	v21 =	vcvt.f32.s32 v21;
	v62 =	vnsel vm13, $0xFFFF, v59;
	v59 =	vadd.s32 $0x1, v43  }
0xa9: {  	s4 =	simm.s32 $0x11180;
	v53 =	vsub.f32 v3, v28;
	v3 =	vadd.f32 v31, v44;
	v31 =	vcvt.f32.s32 v18  }
0xaa: {  	v40 =	vtrunc.f32 v19;
	vm4 =	vlt.s32 v59, $0xFFFF;
	v18 =	vld [tilespmem:s4+$0x70];
	v44 =	vcvt.f32.s32 v47  }
0xab: {  	v40 =	vcvt.f32.s32 v40;
	v36 =	vmul.f32 v53, v36;
	v63 =	vadd.s32 $0x1, v31  }
0xac: {  	v41 =	vld.idx.msk [tilespmem:v41+s6+$0x0], $0xffff;
	v51 =	vnsel vm4, $0xFFFF, v59;
	v60 =	vadd.s32 $0x1, v44;
	vm15 =	vlt.s32 v63, $0xFFFF  }
0xad: {  	v49 =	vld.idx.msk [tilespmem:v34+s6+$0x0], $0xffff;
	vm5 =	vlt.s32 v60, $0xFFFF;
	v28 =	vadd.f32 v36, v28;
	v47 =	vnsel vm15, $0xFFFF, v63  }
0xae: {  	v59 =	vadd.s32 $0x1, v24;
	v36 =	vld.idx.msk [tilespmem:v30+s6+$0x0], $0xffff;
	v30 =	vcvt.s32.f32 v30;
	v53 =	vnsel vm5, $0xFFFF, v60  }
0xaf: {  	vm7 =	vlt.s32 v59, $0xFFFF;
	v62 =	vld.idx.msk [tilespmem:v62+s6+$0x0], $0xffff;
	v18 =	vmul.f32 $2.999999930e-02, v18;
	v28 =	vmul.f32 v28, v61  }
0xb0: {  	v63 =	vadd.s32 $0x1, v45;
	v60 =	vadd.s32 $0x1, v42;
	v54 =	vld.idx.msk [tilespmem:v31+s6+$0x0], $0xffff;
	v31 =	vcvt.s32.f32 v31  }
0xb1: {  	vm6 =	vlt.s32 v63, $0xFFFF;
	vm8 =	vlt.s32 v60, $0xFFFF;
	v18 =	vadd.f32 v28, v18  }
0xb2: {  	v28 =	vcvt.s32.f32 v34;
	v27 =	vsub.f32 v27, v31;
	v31 =	vcvt.s32.f32 v44;
	v47 =	vld.idx.msk [tilespmem:v47+s6+$0x0], $0xffff  }
0xb3: {  	v30 =	vsub.f32 v35, v30;
	v35 =	vnsel vm6, $0xFFFF, v63;
	v41 =	vsub.f32 v41, v36;
	v53 =	vld.idx.msk [tilespmem:v53+s6+$0x0], $0xffff  }
0xb4: {  	v25 =	vsub.f32 v25, v28;
	v28 =	vcvt.s32.f32 v43;
	v31 =	vsub.f32 v39, v31;
	v39 =	vld.idx.msk [tilespmem:v44+s6+$0x0], $0xffff  }
0xb5: {  	v34 =	vsub.f32 v62, v49;
	v62 =	vcvt.s32.f32 v42;
	v30 =	vmul.f32 v41, v30;
	v41 =	vld.idx.msk [tilespmem:v24+s6+$0x0], $0xffff  }
0xb6: {  	v44 =	vnsel vm8, $0xFFFF, v60;
	v24 =	vcvt.s32.f32 v24;
	v28 =	vsub.f32 v29, v28;
	v29 =	vld.idx.msk [tilespmem:v43+s6+$0x0], $0xffff  }
0xb7: {  	v43 =	vnsel vm7, $0xFFFF, v59;
	v25 =	vmul.f32 v34, v25;
	v34 =	vld.idx.msk [tilespmem:v45+s6+$0x0], $0xffff;
	v45 =	vcvt.s32.f32 v45  }
0xb8: {  	v51 =	vld.idx.msk [tilespmem:v51+s6+$0x0], $0xffff;
	v59 =	vcvt.s32.f32 v38;
	v24 =	vsub.f32 v46, v24;
	v47 =	vsub.f32 v47, v54  }
0xb9: {  	v60 =	vcvt.s32.f32 v21;
	v35 =	vld.idx.msk [tilespmem:v35+s6+$0x0], $0xffff;
	v22 =	vsub.f32 v22, v45;
	v45 =	vsub.f32 v48, v62  }
0xba: {  	v48 =	vsub.f32 v52, v59;
	v62 =	vcvt.s32.f32 v23;
	v59 =	vcvt.s32.f32 v33  }
0xbb: {  	v25 =	vadd.f32 v25, v49;
	v53 =	vsub.f32 v53, v39;
	v27 =	vmul.f32 v47, v27  }
0xbc: {  	v42 =	vld.idx.msk [tilespmem:v42+s6+$0x0], $0xffff;
	v47 =	vsub.f32 v55, v60;
	v60 =	vadd.s32 $0x1, v21;
	v32 =	vsub.f32 v32, v59  }
0xbd: {  	v44 =	vld.idx.msk [tilespmem:v44+s6+$0x0], $0xffff;
	v55 =	vadd.s32 $0x1, v26;
	v59 =	vadd.s32 $0x1, v40;
	v63 =	vsub.f32 v51, v29  }
0xbe: {  	v21 =	vld.idx.msk [tilespmem:v21+s6+$0x0], $0xffff;
	v51 =	vcvt.s32.f32 v37;
	v31 =	vmul.f32 v53, v31;
	v35 =	vsub.f32 v35, v34  }
0xbf: {  	v43 =	vld.idx.msk [tilespmem:v43+s6+$0x0], $0xffff;
	vm11 =	vlt.s32 v60, $0xFFFF;
	vm13 =	vlt.s32 v55, $0xFFFF;
	vm15 =	vlt.s32 v59, $0xFFFF  }
0xc0: {  	v53 =	vld [tilespmem:s4+$0xFFFFFF80];
	v28 =	vmul.f32 v63, v28;
	v46 =	vsub.f32 v50, v51;
	v50 =	vadd.s32 $0x1, v37  }
0xc1: {  	v22 =	vmul.f32 v35, v22;
	v51 =	vadd.s32 $0x1, v38;
	v63 =	vcvt.s32.f32 v26;
	v37 =	vld.idx.msk [tilespmem:v37+s6+$0x0], $0xffff  }
0xc2: {  	v35 =	vsub.f32 v56, v62;
	v62 =	vcvt.s32.f32 v40;
	v38 =	vld.idx.msk [tilespmem:v38+s6+$0x0], $0xffff;
	vm9 =	vlt.s32 v50, $0xFFFF  }
0xc3: {  	v26 =	vld.idx.msk [tilespmem:v26+s6+$0x0], $0xffff;
	v44 =	vsub.f32 v44, v42;
	vm10 =	vlt.s32 v51, $0xFFFF;
	v50 =	vnsel vm9, $0xFFFF, v50  }
0xc4: {  	v40 =	vld.idx.msk [tilespmem:v40+s6+$0x0], $0xffff;
	v20 =	vsub.f32 v20, v63;
	v63 =	vadd.s32 $0x1, v23;
	v51 =	vnsel vm10, $0xFFFF, v51  }
0xc5: {  	v19 =	vsub.f32 v19, v62;
	v23 =	vld.idx.msk [tilespmem:v23+s6+$0x0], $0xffff;
	v62 =	vnsel vm15, $0xFFFF, v59;
	v43 =	vsub.f32 v43, v41  }
0xc6: {  	v59 =	vld [tilespmem:s4+$0xFFFFFFA0];
	v44 =	vmul.f32 v44, v45;
	vm12 =	vlt.s32 v63, $0xFFFF;
	v45 =	vnsel vm11, $0xFFFF, v60  }
0xc7: {  	v49 =	vnsel vm12, $0xFFFF, v63;
	v24 =	vmul.f32 v43, v24;
	v43 =	vnsel vm13, $0xFFFF, v55;
	v55 =	vld [tilespmem:s4+$0xFFFFFF90]  }
0xc8: {  	s18 =	simm.s32 $0x12080;
	v11 =	vadd.f32 v11, v58;
	v7 =	vadd.f32 v7, v58;
	v56 =	vadd.s32 $0x1, v33;
	v50 =	vld.idx.msk [tilespmem:v50+s6+$0x0], $0xffff  }
0xc9: {  	v17 =	vadd.f32 v17, v58;
	[tilespmem:s18+$0x30] =	vst v6;
	v6 =	vadd.f32 v4, v58;
	vm14 =	vlt.s32 v56, $0xFFFF;
	v60 =	vld.idx.msk [tilespmem:v51+s6+$0x0], $0xffff  }
0xca: {  	v28 =	vadd.f32 v28, v29;
	v29 =	vnsel vm14, $0xFFFF, v56;
	v22 =	vadd.f32 v22, v34;
	v34 =	vld.idx.msk [tilespmem:v62+s6+$0x0], $0xffff  }
0xcb: {  	v30 =	vadd.f32 v30, v36;
	v27 =	vadd.f32 v27, v54;
	v63 =	vld.idx.msk [tilespmem:v45+s6+$0x0], $0xffff  }
0xcc: {  	[tilespmem:s18+$0xFFFFFFA0] =	vst v15;
	v31 =	vadd.f32 v31, v39;
	v24 =	vadd.f32 v24, v41;
	v49 =	vld.idx.msk [tilespmem:v49+s6+$0x0], $0xffff  }
0xcd: {  	[tilespmem:s18+$0x20] =	vst v7;
	v7 =	vmul.f32 $2.999999930e-02, v53;
	v41 =	vadd.f32 v44, v42;
	v51 =	vadd.f32 v14, v58;
	v43 =	vld.idx.msk [tilespmem:v43+s6+$0x0], $0xffff  }
0xce: {  	[tilespmem:s18+$0x10] =	vst v8;
	v33 =	vld.idx.msk [tilespmem:v33+s6+$0x0], $0xffff;
	v4 =	vmul.f32 $2.999999930e-02, v59;
	v8 =	vmul.f32 $2.999999930e-02, v55;
	v50 =	vsub.f32 v50, v37  }
0xcf: {  	v29 =	vld.idx.msk [tilespmem:v29+s6+$0x0], $0xffff;
	v36 =	vsub.f32 v60, v38;
	v15 =	vsub.f32 v34, v40;
	v34 =	vmul.f32 v28, v61  }
0xd0: {  	v1 =	vld [tilespmem:s4+$0xFFFFFFB0];
	v28 =	vmul.f32 v22, v61;
	v39 =	vsub.f32 v63, v21;
	v44 =	vmul.f32 v50, v46  }
0xd1: {  	[tilespmem:s18+$0xFFFFFFD0] =	vst v17;
	v17 =	vld [tilespmem:s4+$0x0];
	v36 =	vmul.f32 v36, v48;
	v14 =	vsub.f32 v49, v23;
	v15 =	vmul.f32 v15, v19  }
0xd2: {  	[tilespmem:s18+$0x70] =	vst v2;
	v60 =	vld [tilespmem:s4+$0xFFFFFFD0];
	v2 =	vmul.f32 v39, v47;
	v54 =	vsub.f32 v43, v26;
	v52 =	vadd.f32 v44, v37  }
0xd3: {  	[tilespmem:s18+$0xFFFFFF80] =	vst v12;
	v19 =	vld [tilespmem:s4+$0x10];
	v12 =	vmul.f32 v14, v35;
	v38 =	vadd.f32 v36, v38;
	v37 =	vmul.f32 v25, v61  }
0xd4: {  	[tilespmem:s18+$0xFFFFFFB0] =	vst v16;
	v14 =	vsub.f32 v29, v33;
	v36 =	vmul.f32 v30, v61;
	v29 =	vmul.f32 v24, v61;
	v24 =	vld [tilespmem:s4+$0x40]  }
0xd5: {  	[tilespmem:s18+$0xFFFFFFE0] =	vst v10;
	v40 =	vadd.f32 v15, v40;
	v35 =	vmul.f32 v27, v61;
	v30 =	vmul.f32 v41, v61;
	v27 =	vld [tilespmem:s4+$0x60]  }
0xd6: {  	[tilespmem:s18+$0xFFFFFF90] =	vst v13;
	v13 =	vmul.f32 v54, v20;
	v56 =	vadd.f32 v2, v21;
	v20 =	vadd.f32 v18, v58;
	v18 =	vld [tilespmem:s4+$0xFFFFFFE0]  }
0xd7: {  	s0 =	sshll.u32 s3, $0x1;
	[tilespmem:s18+$0x40] =	vst v5;
	v2 =	vadd.f32 v57, v58;
	v21 =	vld [tilespmem:s4+$0x30];
	v16 =	vmul.f32 v14, v32;
	v32 =	vmul.f32 v52, v61  }
0xd8: {  	s9 =	sadd.s32 s7, s0;
	s17 =	simm.s32 $0x12180;
	[tilespmem:s18+$0xFFFFFFF0] =	vst v11;
	v9 =	vadd.f32 v12, v23;
	v14 =	vld [tilespmem:s4+$0xFFFFFFC0];
	v25 =	vmul.f32 v38, v61;
	v10 =	vmul.f32 v40, v61  }
0xd9: {  	s8 =	sshll.u32 s9, $0xB;
	s10 =	sshll.u32 s9, $0x8;
	s9 =	sshll.u32 s9, $0x1;
	v26 =	vadd.f32 v13, v26;
	[tilespmem:s17+$0x70] =	vst v20;
	v20 =	vld [tilespmem:s4+$0x20];
	v22 =	vmul.f32 v56, v61;
	v63 =	vadd.f32 v16, v33  }
0xda: {  	s8 =	sand.u32 $0x3000, s8;
	s10 =	sand.u32 $0xFFFC000, s10;
	s9 =	sand.u32 $0x70, s9;
	[tilespmem:s18+$0xFFFFFFC0] =	vst v51;
	v16 =	vld [tilespmem:s4+$0xFFFFFFF0];
	v33 =	vmul.f32 v31, v61;
	v23 =	vmul.f32 v9, v61  }
0xdb: {  	s8 =	sor.u32 s10, s8;
	s10 =	simm.s32 $0x100;
	s11 =	simm.s32 $0x10280;
	v3 =	vadd.f32 v3, v58;
	[tilespmem:s18+$0x0] =	vst v2;
	v31 =	vmul.f32 v26, v61;
	v26 =	vld [tilespmem:s4+$0x50];
	v15 =	vmul.f32 v63, v61  }
.LBB2_3:
0xdc: {  	_ =	sdelay $0x1  }
0xdd: {  	v5 =	vld [tilespmem:s11+$0x70];
	v53 =	vmul.f32 $2.999999930e-02, v20  }
0xde: {  	[tilespmem:s18+$0x50] =	vst v6;
	v6 =	vld [tilespmem:s11+$0xFFFFFF90];
	v12 =	vadd.f32 v36, v8;
	v54 =	vmul.f32 $2.999999930e-02, v24;
	v2 =	vmul.f32 $2.999999930e-02, v1  }
0xdf: {  	v11 =	vadd.f32 v37, v7;
	[tilespmem:s18+$0x60] =	vst v3;
	v3 =	vld [tilespmem:s11+$0xFFFFFFA0];
	v7 =	vmul.f32 $2.999999930e-02, v14;
	v8 =	vmul.f32 $2.999999930e-02, v60  }
0xe0: {  	v41 =	vld [tilespmem:s11+$0x30];
	v13 =	vadd.f32 v35, v4;
	v9 =	vmul.f32 $2.999999930e-02, v18;
	v4 =	vmul.f32 $2.999999930e-02, v16  }
0xe1: {  	v14 =	vmul.f32 $2.999999930e-02, v17;
	v16 =	vld [tilespmem:s11+$0xFFFFFFB0];
	v17 =	vmul.f32 $2.999999930e-02, v19  }
0xe2: {  	v18 =	vld [tilespmem:s11+$0xFFFFFFC0];
	v38 =	vmul.f32 $2.999999930e-02, v27;
	v55 =	vmul.f32 $6.553500000e+04, v5  }
0xe3: {  	v19 =	vld [tilespmem:s11+$0xFFFFFFD0];
	v5 =	vmul.f32 $2.999999930e-02, v26;
	v33 =	vadd.f32 v33, v7;
	v0 =	vadd.f32 v29, v9  }
0xe4: {  	v43 =	vld [tilespmem:s11+$0x40];
	v7 =	vmul.f32 $2.999999930e-02, v21;
	v56 =	vadd.f32 v28, v8;
	v26 =	vmul.f32 $6.553500000e+04, v3  }
0xe5: {  	v28 =	vmul.f32 $6.553500000e+04, v6;
	v6 =	vld [tilespmem:s11+$0xFFFFFFE0];
	v3 =	vtrunc.f32 v55;
	[tilespmem:$0x1FF00] =	vst v0;
	v0 =	vadd.f32 v30, v4  }
0xe6: {  	v2 =	vadd.f32 v34, v2;
	v8 =	vld [tilespmem:s11+$0xFFFFFFF0];
	v39 =	vcvt.f32.s32 v3;
	v57 =	vtrunc.f32 v26  }
0xe7: {  	v48 =	vld [tilespmem:s11+$0xFFFFFF80];
	v27 =	vmul.f32 $6.553500000e+04, v16;
	v24 =	vmul.f32 $6.553500000e+04, v18;
	[tilespmem:$0x1FF10] =	vst v0;
	v0 =	vadd.f32 v32, v14  }
0xe8: {  	v45 =	vld [tilespmem:s11+$0x50];
	v2 =	vadd.f32 v2, v58;
	v18 =	vmul.f32 $6.553500000e+04, v19;
	v51 =	vcvt.f32.s32 v57  }
0xe9: {  	v9 =	vld [tilespmem:s11+$0x0];
	v14 =	vtrunc.f32 v28;
	v21 =	vadd.s32 $0x1, v39;
	[tilespmem:$0x1FF30] =	vst v0;
	v0 =	vadd.f32 v25, v17  }
0xea: {  	v29 =	vld [tilespmem:$0x1FFF0];
	v40 =	vtrunc.f32 v27;
	v19 =	vmul.f32 $6.553500000e+04, v6;
	vm0 =	vlt.s32 v21, $0xFFFF  }
0xeb: {  	v30 =	vld [tilespmem:$0x1FF00];
	v42 =	vtrunc.f32 v24;
	v20 =	vmul.f32 $6.553500000e+04, v8;
	[tilespmem:$0x1FF40] =	vst v0;
	v0 =	vadd.f32 v22, v53  }
0xec: {  	v47 =	vld [tilespmem:s11+$0x60];
	v46 =	vtrunc.f32 v18;
	v50 =	vcvt.f32.s32 v14;
	v44 =	vnsel vm0, $0xFFFF, v21  }
0xed: {  	s4 =	sadd.s32 $0x100, s4;
	v16 =	vld [tilespmem:s11+$0x10];
	v52 =	vcvt.f32.s32 v40;
	v59 =	vtrunc.f32 v19;
	[tilespmem:$0x1FF50] =	vst v0;
	v0 =	vadd.f32 v23, v7  }
0xee: {  	[tilespmem:s17+$0xFFFFFFB0] =	vst v2;
	v2 =	vadd.f32 v56, v58;
	v14 =	vld [tilespmem:s4+$0x70];
	v21 =	vmul.f32 $6.553500000e+04, v9;
	v56 =	vcvt.f32.s32 v59  }
0xef: {  	v17 =	vld [tilespmem:s11+$0x20];
	v49 =	vtrunc.f32 v20;
	v59 =	vadd.s32 $0x1, v52;
	[tilespmem:$0x1FF60] =	vst v0;
	v0 =	vadd.f32 v31, v54  }
0xf0: {  	v60 =	vld.idx.msk [tilespmem:v39+s6+$0x0], $0xffff;
	v29 =	vadd.f32 v30, v29;
	vm3 =	vlt.s32 v59, $0xFFFF;
	v6 =	vadd.s32 $0x1, v56  }
0xf1: {  	v30 =	vld [tilespmem:$0x1FFF0];
	v59 =	vnsel vm3, $0xFFFF, v59;
	vm6 =	vlt.s32 v6, $0xFFFF;
	[tilespmem:$0x1FF80] =	vst v0;
	v0 =	vadd.f32 v15, v5  }
0xf2: {  	v22 =	vmul.f32 $6.553500000e+04, v16;
	v53 =	vadd.s32 $0x1, v50;
	v63 =	vld.idx.msk [tilespmem:v44+s6+$0x0], $0xffff;
	v6 =	vnsel vm6, $0xFFFF, v6  }
0xf3: {  	s18 =	smov.u32 s17;
	v16 =	vmul.f32 $6.553500000e+04, v43;
	vm1 =	vlt.s32 v53, $0xFFFF;
	v34 =	vld.idx.msk [tilespmem:v52+s6+$0x0], $0xffff;
	[tilespmem:$0x1FFA0] =	vst v0;
	v0 =	vadd.f32 v10, v38  }
0xf4: {  	v7 =	vnsel vm1, $0xFFFF, v53;
	v31 =	vtrunc.f32 v21;
	v37 =	vld.idx.msk [tilespmem:v56+s6+$0x0], $0xffff;
	[tilespmem:s18+$0xFFFFFFE0] =	vst v29;
	v10 =	vadd.f32 v11, v58  }
0xf5: {  	v25 =	vmul.f32 $6.553500000e+04, v17;
	v57 =	vcvt.f32.s32 v31;
	v15 =	vld [tilespmem:$0x1FF10];
	v11 =	vadd.f32 v12, v58;
	[tilespmem:$0x1FFD0] =	vst v0  }
0xf6: {  	v17 =	vmul.f32 $6.553500000e+04, v45;
	v29 =	vld.idx.msk [tilespmem:v59+s6+$0x0], $0xffff;
	v0 =	vmul.f32 $6.553500000e+04, v47;
	[tilespmem:s17+$0xFFFFFF80] =	vst v10  }
0xf7: {  	v45 =	vmul.f32 $6.553500000e+04, v48;
	v3 =	vadd.s32 $0x1, v57;
	v6 =	vld.idx.msk [tilespmem:v6+s6+$0x0], $0xffff;
	v10 =	vadd.f32 v13, v58;
	[tilespmem:s17+$0xFFFFFF90] =	vst v11  }
0xf8: {  	v12 =	vcvt.s32.f32 v39;
	vm8 =	vlt.s32 v3, $0xFFFF;
	[tilespmem:$0x1FF20] =	vst v0;
	v39 =	vtrunc.f32 v0;
	v0 =	vld [tilespmem:s4+$0xFFFFFF80]  }
0xf9: {  	v54 =	vcvt.f32.s32 v42;
	v3 =	vnsel vm8, $0xFFFF, v3;
	v11 =	vtrunc.f32 v45;
	v7 =	vld.idx.msk [tilespmem:v7+s6+$0x0], $0xffff;
	[tilespmem:s17+$0xFFFFFFA0] =	vst v10  }
0xfa: {  	v49 =	vcvt.f32.s32 v49;
	v48 =	vcvt.f32.s32 v11;
	v10 =	vadd.f32 v33, v58;
	v33 =	vld.idx.msk [tilespmem:v51+s6+$0x0], $0xffff  }
0xfb: {  	v11 =	vsub.f32 v55, v12;
	v12 =	vsub.f32 v63, v60;
	v9 =	vcvt.f32.s32 v39;
	v39 =	vld.idx.msk [tilespmem:v57+s6+$0x0], $0xffff  }
0xfc: {  	v23 =	vmul.f32 $6.553500000e+04, v41;
	v62 =	vtrunc.f32 v22;
	v30 =	vadd.f32 v15, v30;
	v15 =	vld [tilespmem:$0x1FF20]  }
0xfd: {  	v55 =	vcvt.f32.s32 v46;
	v40 =	vmul.f32 v12, v11;
	[tilespmem:$0x1FF90] =	vst v0;
	v0 =	vld [tilespmem:s4+$0xFFFFFF90]  }
0xfe: {  	v14 =	vmul.f32 $2.999999930e-02, v14;
	v13 =	vtrunc.f32 v17;
	[tilespmem:s17+$0xFFFFFFC0] =	vst v10;
	v3 =	vld.idx.msk [tilespmem:v3+s6+$0x0], $0xffff  }
0xff: {  	v52 =	vcvt.s32.f32 v52;
	v63 =	vcvt.f32.s32 v13;
	v32 =	vadd.f32 v40, v60;
	v35 =	vld.idx.msk [tilespmem:v54+s6+$0x0], $0xffff  }
0x100: {  	v44 =	vtrunc.f32 v23;
	v38 =	vtrunc.f32 v25;
	v31 =	vld.idx.msk [tilespmem:v48+s6+$0x0], $0xffff  }
0x101: {  	[tilespmem:s17+$0xFFFFFFD0] =	vst v2;
	v27 =	vsub.f32 v27, v52;
	v47 =	vtrunc.f32 v16;
	v42 =	vmul.f32 v32, v61;
	v32 =	vld.idx.msk [tilespmem:v50+s6+$0x0], $0xffff  }
0x102: {  	v46 =	vadd.s32 $0x1, v51;
	v47 =	vcvt.f32.s32 v47;
	v58 =	vcvt.f32.s32 v62;
	[tilespmem:$0x1FFB0] =	vst v0;
	v0 =	vld [tilespmem:s4+$0xFFFFFFA0]  }
0x103: {  	v62 =	vcvt.f32.s32 v44;
	vm2 =	vlt.s32 v46, $0xFFFF;
	v43 =	vadd.s32 $0x1, v48;
	v36 =	vld.idx.msk [tilespmem:v55+s6+$0x0], $0xffff  }
0x104: {  	v8 =	vnsel vm2, $0xFFFF, v46;
	v60 =	vadd.s32 $0x1, v54;
	v61 =	vcvt.f32.s32 v38;
	v38 =	vld.idx.msk [tilespmem:v49+s6+$0x0], $0xffff  }
0x105: {  	v12 =	vadd.s32 $0x1, v49;
	v1 =	vadd.s32 $0x1, v63;
	vm4 =	vlt.s32 v60, $0xFFFF;
	v53 =	vld.idx.msk [tilespmem:v63+s6+$0x0], $0xffff  }
0x106: {  	v51 =	vcvt.s32.f32 v51;
	v4 =	vadd.s32 $0x1, v58;
	v10 =	vnsel vm4, $0xFFFF, v60;
	v60 =	vld [tilespmem:s4+$0xFFFFFFD0]  }
0x107: {  	v5 =	vadd.s32 $0x1, v62;
	vm0 =	vlt.s32 v43, $0xFFFF;
	vm7 =	vlt.s32 v12, $0xFFFF;
	[tilespmem:$0x1FFC0] =	vst v0;
	v0 =	vld [tilespmem:s4+$0xFFFFFFB0]  }
0x108: {  	vm13 =	vlt.s32 v1, $0xFFFF;
	v6 =	vsub.f32 v6, v37;
	v2 =	vadd.s32 $0x1, v9;
	v40 =	vld.idx.msk [tilespmem:v58+s6+$0x0], $0xffff  }
0x109: {  	vm9 =	vlt.s32 v4, $0xFFFF;
	vm11 =	vlt.s32 v5, $0xFFFF;
	v12 =	vnsel vm7, $0xFFFF, v12;
	v8 =	vld.idx.msk [tilespmem:v8+s6+$0x0], $0xffff  }
0x10a: {  	v1 =	vnsel vm13, $0xFFFF, v1;
	v26 =	vsub.f32 v26, v51;
	v51 =	vcvt.s32.f32 v58;
	v58 =	vld [tilespmem:$0x1FFF0]  }
0x10b: {  	vm14 =	vlt.s32 v2, $0xFFFF;
	v4 =	vnsel vm9, $0xFFFF, v4;
	v13 =	vadd.f32 v42, v14;
	v42 =	vld.idx.msk [tilespmem:v62+s6+$0x0], $0xffff  }
0x10c: {  	v5 =	vnsel vm11, $0xFFFF, v5;
	v48 =	vcvt.s32.f32 v48;
	v50 =	vcvt.s32.f32 v50;
	[tilespmem:$0x1FF70] =	vst v0;
	v0 =	vld [tilespmem:$0x1FFF0]  }
0x10d: {  	v2 =	vnsel vm14, $0xFFFF, v2;
	v49 =	vcvt.s32.f32 v49;
	[tilespmem:s18+$0xFFFFFFF0] =	vst v30;
	v30 =	vcvt.s32.f32 v57;
	v46 =	vld.idx.msk [tilespmem:v9+s6+$0x0], $0xffff  }
0x10e: {  	v63 =	vcvt.s32.f32 v63;
	v22 =	vsub.f32 v22, v51;
	v14 =	vadd.s32 $0x1, v55;
	v12 =	vld.idx.msk [tilespmem:v12+s6+$0x0], $0xffff  }
0x10f: {  	v44 =	vadd.s32 $0x1, v61;
	v45 =	vsub.f32 v45, v48;
	vm5 =	vlt.s32 v14, $0xFFFF;
	v1 =	vld.idx.msk [tilespmem:v1+s6+$0x0], $0xffff  }
0x110: {  	v48 =	vcvt.s32.f32 v54;
	v28 =	vsub.f32 v28, v50;
	v11 =	vnsel vm5, $0xFFFF, v14;
	v14 =	vld [tilespmem:s4+$0xFFFFFFC0]  }
0x111: {  	v50 =	vcvt.s32.f32 v56;
	v4 =	vld.idx.msk [tilespmem:v4+s6+$0x0], $0xffff;
	v13 =	vadd.f32 v13, v0;
	v0 =	vadd.s32 $0x1, v47  }
0x112: {  	v52 =	vcvt.s32.f32 v61;
	v9 =	vcvt.s32.f32 v9;
	v10 =	vld.idx.msk [tilespmem:v10+s6+$0x0], $0xffff;
	vm12 =	vlt.s32 v0, $0xFFFF  }
0x113: {  	v21 =	vsub.f32 v21, v30;
	v3 =	vsub.f32 v3, v39;
	v2 =	vld.idx.msk [tilespmem:v2+s6+$0x0], $0xffff;
	v0 =	vnsel vm12, $0xFFFF, v0  }
0x114: {  	s17 =	sadd.s32 $0x100, s17;
	v20 =	vsub.f32 v20, v49;
	vm10 =	vlt.s32 v44, $0xFFFF;
	v24 =	vsub.f32 v24, v48;
	v5 =	vld.idx.msk [tilespmem:v5+s6+$0x0], $0xffff  }
0x115: {  	v19 =	vsub.f32 v19, v50;
	v3 =	vmul.f32 v3, v21;
	v41 =	vld.idx.msk [tilespmem:v61+s6+$0x0], $0xffff;
	[tilespmem:s17+$0x70] =	vst v13;
	v13 =	vnsel vm0, $0xFFFF, v43  }
0x116: {  	v44 =	vnsel vm10, $0xFFFF, v44;
	v9 =	vsub.f32 v15, v9;
	v7 =	vsub.f32 v7, v32;
	v61 =	vld [tilespmem:$0x1FFE0]  }
0x117: {  	v54 =	vcvt.s32.f32 v55;
	v8 =	vsub.f32 v8, v33;
	v3 =	vadd.f32 v3, v39;
	v43 =	vld.idx.msk [tilespmem:v47+s6+$0x0], $0xffff  }
0x118: {  	v6 =	vmul.f32 v6, v19;
	v10 =	vsub.f32 v10, v35;
	v2 =	vsub.f32 v2, v46;
	v0 =	vld.idx.msk [tilespmem:v0+s6+$0x0], $0xffff  }
0x119: {  	v21 =	vld [tilespmem:s4+$0x30];
	v7 =	vmul.f32 v7, v28;
	v28 =	vsub.f32 v29, v34;
	v8 =	vmul.f32 v8, v26  }
0x11a: {  	v12 =	vsub.f32 v12, v38;
	v10 =	vmul.f32 v10, v24;
	v2 =	vmul.f32 v2, v9;
	v13 =	vld.idx.msk [tilespmem:v13+s6+$0x0], $0xffff  }
0x11b: {  	v6 =	vadd.f32 v6, v37;
	v26 =	vld.idx.msk [tilespmem:v44+s6+$0x0], $0xffff;
	v24 =	vsub.f32 v25, v52;
	v47 =	vcvt.s32.f32 v47  }
0x11c: {  	v62 =	vcvt.s32.f32 v62;
	v19 =	vld [tilespmem:s4+$0x10];
	v10 =	vadd.f32 v10, v35;
	v2 =	vadd.f32 v2, v46  }
0x11d: {  	v29 =	vmul.f32 v6, v61;
	v6 =	vld [tilespmem:$0x1FF40];
	v25 =	vsub.f32 v16, v47;
	v0 =	vsub.f32 v0, v43  }
0x11e: {  	v11 =	vld.idx.msk [tilespmem:v11+s6+$0x0], $0xffff;
	v7 =	vadd.f32 v7, v32;
	v8 =	vadd.f32 v8, v33;
	v33 =	vmul.f32 v10, v61  }
0x11f: {  	v10 =	vmul.f32 v2, v61;
	v2 =	vld [tilespmem:$0x1FFA0];
	v13 =	vsub.f32 v13, v31;
	v0 =	vmul.f32 v0, v25  }
0x120: {  	v12 =	vmul.f32 v12, v20;
	v32 =	vmul.f32 v3, v61;
	v3 =	vld [tilespmem:$0x1FF50];
	v20 =	vsub.f32 v26, v41  }
0x121: {  	v26 =	vsub.f32 v17, v63;
	v17 =	vld [tilespmem:s4+$0x0];
	v13 =	vmul.f32 v13, v45;
	v0 =	vadd.f32 v0, v43  }
0x122: {  	v4 =	vsub.f32 v4, v40;
	v35 =	vmul.f32 v8, v61;
	v8 =	vld [tilespmem:$0x1FF30];
	v6 =	vadd.f32 v6, v58  }
0x123: {  	v18 =	vsub.f32 v18, v54;
	v13 =	vadd.f32 v13, v31;
	v31 =	vmul.f32 v0, v61;
	v0 =	vld [tilespmem:$0x1FF80]  }
0x124: {  	v23 =	vsub.f32 v23, v62;
	v4 =	vmul.f32 v4, v22;
	[tilespmem:s18+$0x10] =	vst v6;
	v6 =	vadd.f32 v2, v58;
	v2 =	vld [tilespmem:$0x1FFB0]  }
0x125: {  	v5 =	vsub.f32 v5, v42;
	v15 =	vmul.f32 v20, v24;
	v20 =	vld [tilespmem:s4+$0x20];
	v3 =	vadd.f32 v3, v58  }
0x126: {  	v1 =	vsub.f32 v1, v53;
	v27 =	vmul.f32 v28, v27;
	v4 =	vadd.f32 v4, v40;
	v24 =	vld [tilespmem:s4+$0x40]  }
0x127: {  	v5 =	vmul.f32 v5, v23;
	v11 =	vsub.f32 v11, v36;
	[tilespmem:s18+$0x20] =	vst v3;
	v3 =	vld [tilespmem:$0x1FF90];
	v8 =	vadd.f32 v8, v58  }
0x128: {  	v22 =	vadd.f32 v27, v34;
	v25 =	vmul.f32 v4, v61;
	v4 =	vld [tilespmem:$0x1FF60];
	v0 =	vadd.f32 v0, v58  }
0x129: {  	s10 =	sadd.s32 $0x100, s10;
	v9 =	vadd.f32 v12, v38;
	v11 =	vmul.f32 v11, v18;
	[tilespmem:s18+$0x0] =	vst v8;
	v8 =	vmul.f32 $2.999999930e-02, v2;
	v2 =	vld [tilespmem:$0x1FFC0]  }
0x12a: {  	p1 =	slt.u32 s10, $0x700;
	v5 =	vadd.f32 v5, v42;
	v34 =	vmul.f32 v22, v61;
	v1 =	vmul.f32 v1, v26;
	[tilespmem:s18+$0x40] =	vst v0;
	v0 =	vld [tilespmem:$0x1FFD0]  }
.Ltmp2:
0x12b: {  	v27 =	vld [tilespmem:s4+$0x60];
	v11 =	vadd.f32 v11, v36;
	v36 =	vmul.f32 v7, v61;
	v7 =	vadd.f32 v15, v41;
	(pc) =	sbr.rel @p1 .LBB2_3-.Ltmp2, $4  }
0x12c: {  	v30 =	vmul.f32 v9, v61;
	v23 =	vmul.f32 v5, v61;
	v18 =	vld [tilespmem:s4+$0xFFFFFFE0];
	v1 =	vadd.f32 v1, v53  }
0x12d: {  	v26 =	vld [tilespmem:s4+$0x50];
	v28 =	vmul.f32 v11, v61;
	v22 =	vmul.f32 v7, v61;
	v4 =	vadd.f32 v4, v58  }
0x12e: {  	v15 =	vmul.f32 v1, v61;
	v1 =	vld [tilespmem:$0x1FF70];
	v7 =	vmul.f32 $2.999999930e-02, v3  }
0x12f: {  	s11 =	sadd.s32 $0x100, s11;
	v16 =	vld [tilespmem:s4+$0xFFFFFFF0];
	v37 =	vmul.f32 v13, v61;
	[tilespmem:s18+$0x30] =	vst v4;
	v4 =	vmul.f32 $2.999999930e-02, v2;
	v3 =	vadd.f32 v0, v58  }
0x130: {  	_ =	sdelay $0x1  }
0x131: {  	v0 =	vadd.f32 v37, v7  }
0x132: {  	v2 =	vadd.f32 v36, v8;
	v1 =	vmul.f32 $2.999999930e-02, v1  }
0x133: {  	v5 =	vmul.f32 $2.999999930e-02, v14;
	[tilespmem:s18+$0x50] =	vst v6;
	v4 =	vadd.f32 v35, v4;
	v0 =	vadd.f32 v0, v58  }
0x134: {  	v6 =	vmul.f32 $2.999999930e-02, v60;
	[tilespmem:s18+$0x60] =	vst v3;
	v2 =	vadd.f32 v2, v58;
	v1 =	vadd.f32 v34, v1  }
0x135: {  	v3 =	vmul.f32 $2.999999930e-02, v18;
	v5 =	vadd.f32 v33, v5;
	[tilespmem:s17+$0xFFFFFF80] =	vst v0;
	v0 =	vadd.f32 v4, v58  }
0x136: {  	v6 =	vadd.f32 v28, v6;
	[tilespmem:s17+$0xFFFFFF90] =	vst v2;
	v4 =	vmul.f32 $2.999999930e-02, v16;
	v1 =	vadd.f32 v1, v58  }
0x137: {  	v3 =	vadd.f32 v29, v3;
	v2 =	vmul.f32 $2.999999930e-02, v17;
	[tilespmem:s17+$0xFFFFFFA0] =	vst v0;
	v0 =	vadd.f32 v5, v58  }
0x138: {  	v5 =	vmul.f32 $2.999999930e-02, v19;
	v4 =	vadd.f32 v30, v4;
	[tilespmem:s17+$0xFFFFFFB0] =	vst v1;
	v1 =	vadd.f32 v6, v58  }
0x139: {  	v2 =	vadd.f32 v32, v2;
	v6 =	vmul.f32 $2.999999930e-02, v20;
	[tilespmem:s17+$0xFFFFFFC0] =	vst v0;
	v0 =	vadd.f32 v3, v58  }
0x13a: {  	v3 =	vmul.f32 $2.999999930e-02, v21;
	v5 =	vadd.f32 v25, v5;
	[tilespmem:s17+$0xFFFFFFD0] =	vst v1;
	v1 =	vadd.f32 v4, v58  }
0x13b: {  	v4 =	vmul.f32 $2.999999930e-02, v24;
	v6 =	vadd.f32 v22, v6;
	[tilespmem:s17+$0xFFFFFFE0] =	vst v0;
	v0 =	vadd.f32 v2, v58  }
0x13c: {  	v2 =	vmul.f32 $2.999999930e-02, v26;
	v3 =	vadd.f32 v23, v3;
	[tilespmem:s17+$0xFFFFFFF0] =	vst v1;
	v1 =	vadd.f32 v5, v58  }
0x13d: {  	v5 =	vmul.f32 $2.999999930e-02, v27;
	v4 =	vadd.f32 v31, v4;
	[tilespmem:s17+$0x0] =	vst v0;
	v0 =	vadd.f32 v6, v58  }
0x13e: {  	v2 =	vadd.f32 v15, v2;
	[tilespmem:s17+$0x10] =	vst v1;
	v1 =	vadd.f32 v3, v58  }
0x13f: {  	v3 =	vadd.f32 v10, v5;
	[tilespmem:s17+$0x20] =	vst v0;
	v0 =	vadd.f32 v4, v58  }
0x140: {  	[tilespmem:s17+$0x30] =	vst v1;
	v1 =	vadd.f32 v2, v58  }
0x141: {  	[tilespmem:s17+$0x40] =	vst v0;
	v0 =	vadd.f32 v3, v58  }
0x142: {  	s4 =	sadd.s32 s5, s9;
	[tilespmem:s17+$0x50] =	vst v1  }
0x143: {  	p1 =	seq.s32 s3, $0x18;
	s4 =	sadd.s32 s8, s4;
	[tilespmem:s17+$0x60] =	vst v0  }
0x144: {  	[hbm4b:s4+s15] =	stream.strided.scatter [tilespmem:s24], [sflag:$0x6], $0x800, s16, s15, $0x38;
	[tilespmem:$0x13000] =	vst v63  }
0x145: {  	s4 =	sadd.s32 @!p1 s0, s12  }
0x146: {  	s8 =	sshll.u32 @!p1 s4, $0x8;
	s9 =	sshll.u32 @!p1 s4, $0xB  }
0x147: {  	s4 =	sshll.u32 @!p1 s4, $0x1;
	s8 =	sand.u32 @!p1 $0xFFFC000, s8;
	s9 =	sand.u32 @!p1 $0x3000, s9  }
0x148: {  	s4 =	sand.u32 @!p1 $0x70, s4;
	s8 =	sor.u32 @!p1 s9, s8  }
0x149: {  	s10 =	simm.s32 @!p1 $0x400;
	s4 =	sor.u32 @!p1 s4, s8  }
0x14a: {  	s11 =	simm.s32 @!p1 $0x10000;
	s9 =	simm.s32 @!p1 $0x80;
	s8 =	sadd.s32 @!p1 s1, s4  }
0x14b: {  	[tilespmem:s11], [sflag:$0x2] =	stream.strided.gather @!p1 [hbm4b:s8+s9], $0x800, s10, s9, $0x38;
	[tilespmem:$0x13000] =	vst v63  }
0x14c: {  	s4 =	sadd.s32 @!p1 s2, s4;
	s8 =	simm.s32 @!p1 $0x11000  }
0x14d: {  	[tilespmem:s8], [sflag:$0x4] =	stream.strided.gather @!p1 [hbm4b:s4+s9], $0x800, s10, s9, $0x38;
	[tilespmem:$0x13000] =	vst v63  }
0x14e: {  	_ =	swait.ge [sflag:s25], $0x800  }
0x14f: {  	[sflag:s25] =	ssyncset.done $0x0  }
0x150: {  	[sflag:s25] =	ssyncadd.s32 $0xFFFFF800  }
0x151: {  	_ =	swait.ge [sflag:s26], $0x800  }
0x152: {  	[sflag:s26] =	ssyncset.done $0x0  }
0x153: {  	s4 =	simm.s32 @!p0 $0x7;
	[sflag:s26] =	ssyncadd.s32 $0xFFFFF800  }
0x154: {  	_ =	swait.ge @!p0 [sflag:s4], $0x800  }
0x155: {  	[sflag:s4] =	ssyncset.done @!p0 $0x0  }
0x156: {  	s18 =	simm.s32 $0x10880;
	[sflag:s4] =	ssyncadd.s32 @!p0 $0xFFFFF800  }
0x157: {  	v0 =	vld [tilespmem:s18+$0x70]  }
0x158: {  	v1 =	vld [tilespmem:s18+$0xFFFFFF90]  }
0x159: {  	v2 =	vld [tilespmem:s18+$0xFFFFFFA0]  }
0x15a: {  	v3 =	vld [tilespmem:s18+$0xFFFFFFB0]  }
0x15b: {  	v4 =	vld [tilespmem:s18+$0xFFFFFFC0]  }
0x15c: {  	v5 =	vld [tilespmem:s18+$0xFFFFFFD0]  }
0x15d: {  	v6 =	vld [tilespmem:s18+$0xFFFFFFE0];
	_ =	sdelay $0x1  }
0x15e: {  	v0 =	vmul.f32 $6.553500000e+04, v0  }
0x15f: {  	v1 =	vmul.f32 $6.553500000e+04, v1;
	v13 =	vmul.f32 $6.553500000e+04, v2  }
0x160: {  	v14 =	vmul.f32 $6.553500000e+04, v3;
	v17 =	vmul.f32 $6.553500000e+04, v4  }
0x161: {  	v25 =	vld [tilespmem:s18+$0x60];
	v19 =	vmul.f32 $6.553500000e+04, v5;
	v10 =	vmul.f32 $6.553500000e+04, v6  }
0x162: {  	v2 =	vld [tilespmem:s18+$0xFFFFFFF0];
	v7 =	vtrunc.f32 v0;
	v16 =	vtrunc.f32 v1  }
0x163: {  	v3 =	vld [tilespmem:s18+$0x0];
	v18 =	vtrunc.f32 v13;
	v20 =	vtrunc.f32 v14  }
0x164: {  	v4 =	vld [tilespmem:s18+$0x20];
	v22 =	vtrunc.f32 v17;
	v23 =	vtrunc.f32 v19  }
0x165: {  	s8 =	simm.s32 $0x11880;
	v26 =	vld [tilespmem:s18+$0xFFFFFF80];
	v15 =	vcvt.f32.s32 v7;
	v16 =	vcvt.f32.s32 v16  }
0x166: {  	v55 =	vld [tilespmem:s8+$0x70];
	v18 =	vcvt.f32.s32 v18;
	v20 =	vcvt.f32.s32 v20  }
0x167: {  	v22 =	vcvt.f32.s32 v22;
	v23 =	vcvt.f32.s32 v23  }
0x168: {  	v6 =	vld [tilespmem:s18+$0x40];
	v11 =	vmul.f32 $6.553500000e+04, v2;
	v12 =	vmul.f32 $6.553500000e+04, v3  }
0x169: {  	v24 =	vld [tilespmem:s18+$0x50];
	v5 =	vadd.s32 $0x1, v15;
	v3 =	vtrunc.f32 v10;
	v8 =	vmul.f32 $6.553500000e+04, v4  }
0x16a: {  	v7 =	vld [tilespmem:s18+$0x10];
	v4 =	vmul.f32 $6.553500000e+04, v25;
	v25 =	vmul.f32 $6.553500000e+04, v26;
	v59 =	vadd.s32 $0x1, v18  }
0x16b: {  	v21 =	vld [tilespmem:s18+$0x30];
	v62 =	vadd.s32 $0x1, v22;
	v57 =	vcvt.f32.s32 v3;
	v3 =	vmul.f32 $2.999999930e-02, v55  }
0x16c: {  	vm0 =	vlt.s32 v5, $0xFFFF;
	v27 =	vtrunc.f32 v11;
	v28 =	vtrunc.f32 v12  }
0x16d: {  	v2 =	vnsel vm0, $0xFFFF, v5;
	v5 =	vmul.f32 $6.553500000e+04, v6;
	v30 =	vtrunc.f32 v8  }
0x16e: {  	v39 =	vadd.s32 $0x1, v23;
	v6 =	vmul.f32 $6.553500000e+04, v24;
	v53 =	vtrunc.f32 v25  }
0x16f: {  	vm3 =	vlt.s32 v59, $0xFFFF;
	v54 =	vtrunc.f32 v4;
	v9 =	vmul.f32 $6.553500000e+04, v7  }
0x170: {  	vm5 =	vlt.s32 v62, $0xFFFF;
	v7 =	vmul.f32 $6.553500000e+04, v21;
	v27 =	vcvt.f32.s32 v27  }
0x171: {  	vm6 =	vlt.s32 v39, $0xFFFF;
	v28 =	vcvt.f32.s32 v28;
	v30 =	vcvt.f32.s32 v30  }
0x172: {  	v36 =	vnsel vm3, $0xFFFF, v59;
	v33 =	vcvt.f32.s32 v54;
	v35 =	vcvt.s32.f32 v57;
	v21 =	vld.idx.msk [tilespmem:v15+s6+$0x0], $0xffff  }
0x173: {  	v37 =	vnsel vm5, $0xFFFF, v62;
	v26 =	vtrunc.f32 v5;
	v15 =	vcvt.s32.f32 v15;
	v40 =	vld.idx.msk [tilespmem:v18+s6+$0x0], $0xffff  }
0x174: {  	v39 =	vnsel vm6, $0xFFFF, v39;
	v31 =	vtrunc.f32 v6;
	v46 =	vld.idx.msk [tilespmem:v22+s6+$0x0], $0xffff;
	v18 =	vcvt.s32.f32 v18  }
0x175: {  	v41 =	vadd.s32 $0x1, v57;
	v50 =	vld.idx.msk [tilespmem:v23+s6+$0x0], $0xffff;
	v22 =	vcvt.s32.f32 v22;
	v23 =	vcvt.s32.f32 v23  }
0x176: {  	s9 =	simm.s32 $0x10980;
	vm1 =	vlt.s32 v41, $0xFFFF;
	v29 =	vtrunc.f32 v9;
	v24 =	vtrunc.f32 v7  }
0x177: {  	v55 =	vld [tilespmem:s9+$0xFFFFFF90];
	v26 =	vcvt.f32.s32 v26;
	v31 =	vcvt.f32.s32 v31;
	v43 =	vadd.s32 $0x1, v27  }
0x178: {  	v38 =	vld.idx.msk [tilespmem:v16+s6+$0x0], $0xffff;
	v44 =	vadd.s32 $0x1, v28;
	v47 =	vadd.s32 $0x1, v30;
	v52 =	vadd.s32 $0x1, v33  }
0x179: {  	v42 =	vld.idx.msk [tilespmem:v20+s6+$0x0], $0xffff;
	v41 =	vnsel vm1, $0xFFFF, v41;
	v0 =	vsub.f32 v0, v15;
	v15 =	vcvt.f32.s32 v53  }
0x17a: {  	v10 =	vsub.f32 v10, v35;
	v29 =	vcvt.f32.s32 v29;
	v24 =	vcvt.f32.s32 v24;
	v2 =	vld.idx.msk [tilespmem:v2+s6+$0x0], $0xffff  }
0x17b: {  	vm13 =	vlt.s32 v43, $0xFFFF;
	vm7 =	vlt.s32 v44, $0xFFFF;
	v13 =	vsub.f32 v13, v18;
	v53 =	vld.idx.msk [tilespmem:v57+s6+$0x0], $0xffff  }
0x17c: {  	vm9 =	vlt.s32 v47, $0xFFFF;
	v17 =	vsub.f32 v17, v22;
	v19 =	vsub.f32 v19, v23;
	v36 =	vld.idx.msk [tilespmem:v36+s6+$0x0], $0xffff  }
0x17d: {  	vm11 =	vlt.s32 v52, $0xFFFF;
	v49 =	vadd.s32 $0x1, v26;
	v51 =	vadd.s32 $0x1, v31;
	v37 =	vld.idx.msk [tilespmem:v37+s6+$0x0], $0xffff  }
0x17e: {  	v43 =	vnsel vm13, $0xFFFF, v43;
	v44 =	vnsel vm7, $0xFFFF, v44;
	v47 =	vnsel vm9, $0xFFFF, v47;
	v54 =	vld.idx.msk [tilespmem:v27+s6+$0x0], $0xffff  }
0x17f: {  	v52 =	vnsel vm11, $0xFFFF, v52;
	v56 =	vadd.s32 $0x1, v15;
	v45 =	vadd.s32 $0x1, v29;
	v18 =	vld.idx.msk [tilespmem:v30+s6+$0x0], $0xffff  }
0x180: {  	v48 =	vadd.s32 $0x1, v24;
	vm15 =	vlt.s32 v49, $0xFFFF;
	vm10 =	vlt.s32 v51, $0xFFFF;
	v23 =	vld.idx.msk [tilespmem:v33+s6+$0x0], $0xffff  }
0x181: {  	vm12 =	vlt.s32 v56, $0xFFFF;
	vm8 =	vlt.s32 v45, $0xFFFF;
	vm14 =	vlt.s32 v48, $0xFFFF;
	v41 =	vld.idx.msk [tilespmem:v41+s6+$0x0], $0xffff  }
0x182: {  	v49 =	vnsel vm15, $0xFFFF, v49;
	v27 =	vcvt.s32.f32 v27;
	v51 =	vnsel vm10, $0xFFFF, v51;
	v22 =	vld.idx.msk [tilespmem:v26+s6+$0x0], $0xffff  }
0x183: {  	v30 =	vcvt.s32.f32 v30;
	v34 =	vnsel vm12, $0xFFFF, v56;
	v2 =	vsub.f32 v2, v21;
	v60 =	vld.idx.msk [tilespmem:v15+s6+$0x0], $0xffff  }
0x184: {  	v26 =	vcvt.s32.f32 v26;
	v11 =	vsub.f32 v11, v27;
	v15 =	vcvt.s32.f32 v15;
	v27 =	vld.idx.msk [tilespmem:v47+s6+$0x0], $0xffff  }
0x185: {  	v63 =	vld.idx.msk [tilespmem:v31+s6+$0x0], $0xffff;
	v31 =	vcvt.s32.f32 v31;
	v8 =	vsub.f32 v8, v30;
	v0 =	vmul.f32 v2, v0  }
0x186: {  	v5 =	vsub.f32 v5, v26;
	v15 =	vsub.f32 v25, v15;
	v25 =	vld.idx.msk [tilespmem:v28+s6+$0x0], $0xffff;
	v28 =	vcvt.s32.f32 v28  }
0x187: {  	v33 =	vcvt.s32.f32 v33;
	v6 =	vsub.f32 v6, v31;
	v30 =	vld.idx.msk [tilespmem:v51+s6+$0x0], $0xffff;
	v0 =	vadd.f32 v0, v21  }
0x188: {  	v39 =	vld.idx.msk [tilespmem:v39+s6+$0x0], $0xffff;
	v21 =	vadd.s32 $0x1, v16;
	v16 =	vcvt.s32.f32 v16;
	v12 =	vsub.f32 v12, v28  }
0x189: {  	v43 =	vld.idx.msk [tilespmem:v43+s6+$0x0], $0xffff;
	v28 =	vsub.f32 v41, v53;
	vm2 =	vlt.s32 v21, $0xFFFF;
	v26 =	vsub.f32 v27, v18  }
0x18a: {  	v44 =	vld.idx.msk [tilespmem:v44+s6+$0x0], $0xffff;
	v2 =	vmul.f32 v0, v61;
	v0 =	vadd.s32 $0x1, v20;
	v21 =	vnsel vm2, $0xFFFF, v21  }
0x18b: {  	v34 =	vld.idx.msk [tilespmem:v34+s6+$0x0], $0xffff;
	v1 =	vsub.f32 v1, v16;
	v20 =	vcvt.s32.f32 v20;
	vm4 =	vlt.s32 v0, $0xFFFF  }
0x18c: {  	v16 =	vld.idx.msk [tilespmem:v29+s6+$0x0], $0xffff;
	v8 =	vmul.f32 v26, v8;
	v26 =	vsub.f32 v30, v63;
	v0 =	vnsel vm4, $0xFFFF, v0  }
0x18d: {  	v36 =	vsub.f32 v36, v40;
	v47 =	vsub.f32 v39, v50;
	v10 =	vmul.f32 v28, v10;
	v28 =	vld [tilespmem:s8+$0xFFFFFF90]  }
0x18e: {  	v29 =	vcvt.s32.f32 v29;
	v14 =	vsub.f32 v14, v20;
	v20 =	vld.idx.msk [tilespmem:v24+s6+$0x0], $0xffff;
	v6 =	vmul.f32 v26, v6  }
0x18f: {  	v45 =	vnsel vm8, $0xFFFF, v45;
	v13 =	vmul.f32 v36, v13;
	v51 =	vsub.f32 v44, v25;
	v21 =	vld.idx.msk [tilespmem:v21+s6+$0x0], $0xffff  }
0x190: {  	v19 =	vmul.f32 v47, v19;
	v9 =	vsub.f32 v9, v29;
	v29 =	vld.idx.msk [tilespmem:v49+s6+$0x0], $0xffff;
	v6 =	vadd.f32 v6, v63  }
0x191: {  	v48 =	vnsel vm14, $0xFFFF, v48;
	v4 =	vsub.f32 v4, v33;
	v12 =	vmul.f32 v51, v12;
	v0 =	vld.idx.msk [tilespmem:v0+s6+$0x0], $0xffff  }
0x192: {  	v13 =	vadd.f32 v13, v40;
	v19 =	vadd.f32 v19, v50;
	v32 =	vmul.f32 v6, v61;
	v6 =	vld [tilespmem:s8+$0x50]  }
0x193: {  	v33 =	vmul.f32 $6.553500000e+04, v55;
	v49 =	vsub.f32 v43, v54;
	v26 =	vld [tilespmem:s8+$0xFFFFFFD0];
	v12 =	vadd.f32 v12, v25  }
0x194: {  	v8 =	vadd.f32 v8, v18;
	v18 =	vmul.f32 v13, v61;
	v13 =	vld [tilespmem:s8+$0x0];
	v21 =	vsub.f32 v21, v38  }
0x195: {  	v19 =	vmul.f32 v19, v61;
	v34 =	vsub.f32 v34, v60;
	v25 =	vmul.f32 v12, v61;
	v12 =	vld [tilespmem:s9+$0x70]  }
0x196: {  	v11 =	vmul.f32 v49, v11;
	v0 =	vsub.f32 v0, v42;
	v1 =	vmul.f32 v21, v1;
	v21 =	vld.idx.msk [tilespmem:v45+s6+$0x0], $0xffff  }
0x197: {  	v24 =	vcvt.s32.f32 v24;
	v10 =	vadd.f32 v10, v53;
	v41 =	vmul.f32 $2.999999930e-02, v6;
	v6 =	vld [tilespmem:s9+$0xFFFFFFE0]  }
0x198: {  	v15 =	vmul.f32 v34, v15;
	v11 =	vadd.f32 v11, v54;
	v0 =	vmul.f32 v0, v14;
	v14 =	vld.idx.msk [tilespmem:v48+s6+$0x0], $0xffff  }
0x199: {  	v10 =	vmul.f32 v10, v61;
	v28 =	vmul.f32 $2.999999930e-02, v28;
	v45 =	vsub.f32 v37, v46  }
0x19a: {  	v7 =	vsub.f32 v7, v24;
	v24 =	vld.idx.msk [tilespmem:v52+s6+$0x0], $0xffff;
	v11 =	vmul.f32 v11, v61;
	v26 =	vmul.f32 $2.999999930e-02, v26  }
0x19b: {  	v59 =	vmul.f32 $2.999999930e-02, v13;
	v17 =	vmul.f32 v45, v17  }
0x19c: {  	v1 =	vadd.f32 v1, v38;
	v21 =	vsub.f32 v21, v16;
	v44 =	vmul.f32 $6.553500000e+04, v6;
	v6 =	vld [tilespmem:s9+$0x30]  }
0x19d: {  	v27 =	vld [tilespmem:s8+$0xFFFFFF80];
	v40 =	vmul.f32 $6.553500000e+04, v12;
	v0 =	vadd.f32 v0, v42;
	v14 =	vsub.f32 v14, v20  }
0x19e: {  	v17 =	vadd.f32 v17, v46;
	v9 =	vmul.f32 v21, v9;
	v21 =	vsub.f32 v29, v22;
	v29 =	vld [tilespmem:s8+$0xFFFFFFA0]  }
0x19f: {  	v1 =	vmul.f32 v1, v61;
	v7 =	vmul.f32 v14, v7;
	v14 =	vsub.f32 v24, v23;
	v24 =	vld [tilespmem:s8+$0xFFFFFFB0]  }
0x1a0: {  	v15 =	vadd.f32 v15, v60;
	v0 =	vmul.f32 v0, v61;
	v5 =	vmul.f32 v21, v5;
	v21 =	vld [tilespmem:s8+$0xFFFFFFC0]  }
0x1a1: {  	v17 =	vmul.f32 v17, v61;
	v9 =	vadd.f32 v9, v16;
	v16 =	vld [tilespmem:s8+$0xFFFFFFF0];
	v54 =	vmul.f32 $6.553500000e+04, v6  }
0x1a2: {  	v4 =	vmul.f32 v14, v4;
	v14 =	vmul.f32 v15, v61;
	v15 =	vld [tilespmem:s8+$0xFFFFFFE0]  }
0x1a3: {  	v7 =	vadd.f32 v7, v20;
	v20 =	vld [tilespmem:s8+$0x10];
	v5 =	vadd.f32 v5, v22;
	v30 =	vmul.f32 v9, v61  }
0x1a4: {  	v22 =	vld [tilespmem:s8+$0x20];
	v29 =	vmul.f32 $2.999999930e-02, v29;
	v4 =	vadd.f32 v4, v23;
	v23 =	vmul.f32 v8, v61  }
0x1a5: {  	v50 =	vld [tilespmem:s9+$0x50];
	v2 =	vadd.f32 v2, v3;
	v31 =	vmul.f32 v7, v61;
	v5 =	vmul.f32 v5, v61  }
0x1a6: {  	v13 =	vadd.f32 v1, v28;
	v9 =	vld [tilespmem:s8+$0x30];
	v8 =	vmul.f32 $2.999999930e-02, v27;
	v24 =	vmul.f32 $2.999999930e-02, v24  }
0x1a7: {  	v2 =	vadd.f32 v2, v58;
	v7 =	vld [tilespmem:s8+$0x40];
	v21 =	vmul.f32 $2.999999930e-02, v21;
	v57 =	vmul.f32 $2.999999930e-02, v16  }
0x1a8: {  	v13 =	vadd.f32 v13, v58;
	v16 =	vld [tilespmem:s9+$0xFFFFFFB0];
	v27 =	vmul.f32 v4, v61;
	v56 =	vmul.f32 $2.999999930e-02, v15  }
0x1a9: {  	v4 =	vld [tilespmem:s8+$0x60];
	v12 =	vadd.f32 v14, v8;
	v37 =	vmul.f32 $2.999999930e-02, v20;
	v22 =	vmul.f32 $2.999999930e-02, v22  }
0x1aa: {  	v8 =	vld [tilespmem:s9+$0x0];
	v14 =	vadd.f32 v17, v21;
	v17 =	vadd.f32 v19, v26;
	v26 =	vtrunc.f32 v44  }
0x1ab: {  	v3 =	vld [tilespmem:s9+$0xFFFFFFD0];
	v38 =	vmul.f32 $2.999999930e-02, v9;
	v26 =	vcvt.f32.s32 v26;
	v12 =	vadd.f32 v12, v58  }
0x1ac: {  	v15 =	vld [tilespmem:s9+$0xFFFFFFA0];
	v39 =	vmul.f32 $2.999999930e-02, v7;
	v10 =	vadd.f32 v10, v56;
	v56 =	vadd.f32 v25, v59  }
0x1ad: {  	v20 =	vld [tilespmem:s9+$0xFFFFFFC0];
	v7 =	vtrunc.f32 v40;
	v6 =	vadd.f32 v31, v38;
	v17 =	vadd.f32 v17, v58  }
0x1ae: {  	v19 =	vld [tilespmem:s9+$0x60];
	v28 =	vmul.f32 $6.553500000e+04, v16;
	v16 =	vadd.f32 v0, v24;
	v0 =	vtrunc.f32 v33  }
0x1af: {  	v42 =	vmul.f32 $2.999999930e-02, v4;
	v49 =	vmul.f32 $6.553500000e+04, v8;
	v8 =	vadd.f32 v30, v37  }
0x1b0: {  	v37 =	vmul.f32 $6.553500000e+04, v50;
	v55 =	vadd.f32 v5, v39;
	v0 =	vcvt.f32.s32 v0  }
0x1b1: {  	v1 =	vmul.f32 $6.553500000e+04, v15;
	v15 =	vadd.f32 v18, v29;
	v18 =	vcvt.f32.s32 v7  }
0x1b2: {  	v10 =	vadd.f32 v10, v58;
	v24 =	vmul.f32 $6.553500000e+04, v20;
	v29 =	vmul.f32 $6.553500000e+04, v3  }
0x1b3: {  	v4 =	vld [tilespmem:s9+$0xFFFFFFF0];
	v6 =	vadd.f32 v6, v58;
	v43 =	vtrunc.f32 v28;
	v19 =	vmul.f32 $6.553500000e+04, v19  }
0x1b4: {  	v7 =	vld [tilespmem:s9+$0x10];
	v16 =	vadd.f32 v16, v58;
	v63 =	vtrunc.f32 v49;
	v34 =	vtrunc.f32 v37  }
0x1b5: {  	v3 =	vld [tilespmem:s9+$0x20];
	v8 =	vadd.f32 v8, v58;
	v21 =	vtrunc.f32 v1;
	v45 =	vtrunc.f32 v24  }
0x1b6: {  	v60 =	vld [tilespmem:s9+$0xFFFFFF80];
	v9 =	vadd.s32 $0x1, v18;
	v48 =	vtrunc.f32 v29;
	v38 =	vtrunc.f32 v19  }
0x1b7: {  	v35 =	vcvt.f32.s32 v63;
	v34 =	vcvt.f32.s32 v34;
	v15 =	vadd.f32 v15, v58  }
0x1b8: {  	vm12 =	vlt.s32 v9, $0xFFFF;
	v21 =	vcvt.f32.s32 v21;
	v38 =	vcvt.f32.s32 v38  }
0x1b9: {  	v46 =	vmul.f32 $6.553500000e+04, v4;
	v47 =	vnsel vm12, $0xFFFF, v9;
	v9 =	vadd.f32 v11, v57  }
0x1ba: {  	v57 =	vadd.s32 $0x1, v0;
	v51 =	vmul.f32 $6.553500000e+04, v7;
	v53 =	vmul.f32 $6.553500000e+04, v3  }
0x1bb: {  	v4 =	vld [tilespmem:s9+$0x40];
	v7 =	vadd.f32 v23, v22;
	v22 =	vtrunc.f32 v54;
	v23 =	vmul.f32 $6.553500000e+04, v60  }
0x1bc: {  	v59 =	vadd.s32 $0x1, v21;
	vm14 =	vlt.s32 v57, $0xFFFF;
	v62 =	vtrunc.f32 v46  }
0x1bd: {  	v25 =	vld.idx.msk [tilespmem:v18+s6+$0x0], $0xffff;
	v18 =	vcvt.s32.f32 v18;
	vm15 =	vlt.s32 v59, $0xFFFF;
	v22 =	vcvt.f32.s32 v22  }
0x1be: {  	v39 =	vnsel vm14, $0xFFFF, v57;
	v36 =	vtrunc.f32 v51;
	v30 =	vtrunc.f32 v53;
	v3 =	vld.idx.msk [tilespmem:v47+s6+$0x0], $0xffff  }
0x1bf: {  	v18 =	vsub.f32 v40, v18;
	v40 =	vcvt.f32.s32 v62;
	v36 =	vcvt.f32.s32 v36  }
0x1c0: {  	v57 =	vadd.s32 $0x1, v26;
	v30 =	vcvt.f32.s32 v30;
	v20 =	vmul.f32 $6.553500000e+04, v4  }
0x1c1: {  	v4 =	vadd.f32 v32, v41;
	v41 =	vtrunc.f32 v23;
	v52 =	vld.idx.msk [tilespmem:v21+s6+$0x0], $0xffff;
	v21 =	vcvt.s32.f32 v21  }
0x1c2: {  	vm7 =	vlt.s32 v57, $0xFFFF;
	v32 =	vcvt.f32.s32 v41;
	v41 =	vcvt.f32.s32 v43  }
0x1c3: {  	v43 =	vcvt.f32.s32 v48;
	v31 =	vtrunc.f32 v20;
	v47 =	vsub.f32 v3, v25  }
0x1c4: {  	s4 =	simm.s32 $0x11980;
	v3 =	vadd.f32 v27, v42;
	v42 =	vcvt.f32.s32 v45;
	v45 =	vnsel vm15, $0xFFFF, v59  }
0x1c5: {  	v1 =	vsub.f32 v1, v21;
	v50 =	vadd.s32 $0x1, v32;
	v60 =	vadd.s32 $0x1, v41;
	v27 =	vld [tilespmem:s4+$0x70]  }
0x1c6: {  	vm13 =	vlt.s32 v50, $0xFFFF;
	vm4 =	vlt.s32 v60, $0xFFFF;
	v18 =	vmul.f32 v47, v18  }
0x1c7: {  	v39 =	vld.idx.msk [tilespmem:v39+s6+$0x0], $0xffff;
	v48 =	vnsel vm4, $0xFFFF, v60;
	v59 =	vadd.s32 $0x1, v40;
	v21 =	vcvt.s32.f32 v42  }
0x1c8: {  	v60 =	vcvt.s32.f32 v40;
	v40 =	vld.idx.msk [tilespmem:v40+s6+$0x0], $0xffff;
	v18 =	vadd.f32 v18, v25;
	v25 =	vnsel vm13, $0xFFFF, v50  }
0x1c9: {  	vm8 =	vlt.s32 v59, $0xFFFF;
	v62 =	vadd.s32 $0x1, v42;
	v21 =	vsub.f32 v24, v21;
	v45 =	vld.idx.msk [tilespmem:v45+s6+$0x0], $0xffff  }
0x1ca: {  	s18 =	simm.s32 $0x12880;
	v27 =	vmul.f32 $2.999999930e-02, v27;
	v18 =	vmul.f32 v18, v61;
	v24 =	vld.idx.msk [tilespmem:v42+s6+$0x0], $0xffff;
	v42 =	vnsel vm8, $0xFFFF, v59  }
0x1cb: {  	[tilespmem:s18+$0x30] =	vst v6;
	v6 =	vadd.f32 v4, v58;
	v63 =	vadd.s32 $0x1, v43;
	v47 =	vld.idx.msk [tilespmem:v32+s6+$0x0], $0xffff;
	vm5 =	vlt.s32 v62, $0xFFFF  }
0x1cc: {  	v50 =	vnsel vm5, $0xFFFF, v62;
	v18 =	vadd.f32 v18, v27;
	v27 =	vcvt.s32.f32 v32;
	v32 =	vld.idx.msk [tilespmem:v0+s6+$0x0], $0xffff  }
0x1cd: {  	v31 =	vcvt.f32.s32 v31;
	vm6 =	vlt.s32 v63, $0xFFFF;
	v0 =	vcvt.s32.f32 v0;
	v25 =	vld.idx.msk [tilespmem:v25+s6+$0x0], $0xffff  }
0x1ce: {  	v48 =	vld.idx.msk [tilespmem:v48+s6+$0x0], $0xffff;
	v59 =	vcvt.s32.f32 v22;
	v23 =	vsub.f32 v23, v27;
	v27 =	vcvt.s32.f32 v41  }
0x1cf: {  	v0 =	vsub.f32 v33, v0;
	v33 =	vnsel vm6, $0xFFFF, v63;
	v45 =	vsub.f32 v45, v52;
	v42 =	vld.idx.msk [tilespmem:v42+s6+$0x0], $0xffff  }
0x1d0: {  	v27 =	vsub.f32 v28, v27;
	v28 =	vld.idx.msk [tilespmem:v41+s6+$0x0], $0xffff;
	v41 =	vnsel vm7, $0xFFFF, v57;
	v57 =	vcvt.s32.f32 v30  }
0x1d1: {  	v50 =	vld.idx.msk [tilespmem:v50+s6+$0x0], $0xffff;
	v63 =	vcvt.s32.f32 v35;
	v1 =	vmul.f32 v45, v1;
	v39 =	vsub.f32 v39, v32  }
0x1d2: {  	v25 =	vsub.f32 v25, v47;
	v45 =	vsub.f32 v53, v57;
	v53 =	vadd.s32 $0x1, v30  }
0x1d3: {  	v57 =	vadd.s32 $0x1, v22;
	v1 =	vadd.f32 v1, v52;
	v0 =	vmul.f32 v39, v0  }
0x1d4: {  	v39 =	vld.idx.msk [tilespmem:v26+s6+$0x0], $0xffff;
	v26 =	vcvt.s32.f32 v26;
	vm11 =	vlt.s32 v53, $0xFFFF;
	v23 =	vmul.f32 v25, v23  }
0x1d5: {  	v25 =	vld.idx.msk [tilespmem:v43+s6+$0x0], $0xffff;
	v43 =	vcvt.s32.f32 v43;
	v42 =	vsub.f32 v42, v40;
	v62 =	vsub.f32 v48, v28  }
0x1d6: {  	vm12 =	vlt.s32 v57, $0xFFFF;
	v26 =	vsub.f32 v44, v26;
	v48 =	vsub.f32 v50, v24  }
0x1d7: {  	v33 =	vld.idx.msk [tilespmem:v33+s6+$0x0], $0xffff;
	v44 =	vsub.f32 v49, v63;
	v50 =	vcvt.s32.f32 v36;
	v29 =	vsub.f32 v29, v43  }
0x1d8: {  	[tilespmem:s18+$0xFFFFFFD0] =	vst v17;
	v17 =	vld [tilespmem:s4+$0x0];
	v43 =	vsub.f32 v46, v60;
	v60 =	vadd.s32 $0x1, v36;
	v27 =	vmul.f32 v62, v27  }
0x1d9: {  	v30 =	vld.idx.msk [tilespmem:v30+s6+$0x0], $0xffff;
	v21 =	vmul.f32 v48, v21;
	v48 =	vadd.s32 $0x1, v35;
	vm10 =	vlt.s32 v60, $0xFFFF  }
0x1da: {  	v22 =	vld.idx.msk [tilespmem:v22+s6+$0x0], $0xffff;
	v62 =	vcvt.s32.f32 v31;
	v42 =	vmul.f32 v42, v43;
	v49 =	vnsel vm10, $0xFFFF, v60  }
0x1db: {  	v41 =	vld.idx.msk [tilespmem:v41+s6+$0x0], $0xffff;
	vm9 =	vlt.s32 v48, $0xFFFF;
	v43 =	vnsel vm11, $0xFFFF, v53;
	v60 =	vnsel vm12, $0xFFFF, v57  }
0x1dc: {  	v36 =	vld.idx.msk [tilespmem:v36+s6+$0x0], $0xffff;
	v33 =	vsub.f32 v33, v25;
	v20 =	vsub.f32 v20, v62;
	v62 =	vadd.s32 $0x1, v34  }
0x1dd: {  	v63 =	vcvt.s32.f32 v34;
	v35 =	vld.idx.msk [tilespmem:v35+s6+$0x0], $0xffff;
	v48 =	vnsel vm9, $0xFFFF, v48;
	vm14 =	vlt.s32 v62, $0xFFFF  }
0x1de: {  	v27 =	vadd.f32 v27, v28;
	v29 =	vmul.f32 v33, v29;
	v28 =	vnsel vm14, $0xFFFF, v62;
	v62 =	vld [tilespmem:s4+$0xFFFFFFA0]  }
0x1df: {  	v46 =	vsub.f32 v51, v50;
	v37 =	vsub.f32 v37, v63;
	v49 =	vld.idx.msk [tilespmem:v49+s6+$0x0], $0xffff  }
0x1e0: {  	v63 =	vadd.s32 $0x1, v38;
	v21 =	vadd.f32 v21, v24;
	v24 =	vadd.f32 v29, v25;
	v29 =	vld.idx.msk [tilespmem:v43+s6+$0x0], $0xffff  }
0x1e1: {  	v41 =	vsub.f32 v41, v39;
	v33 =	vsub.f32 v54, v59;
	v59 =	vadd.s32 $0x1, v31;
	v51 =	vld.idx.msk [tilespmem:v60+s6+$0x0], $0xffff  }
0x1e2: {  	v0 =	vadd.f32 v0, v32;
	vm15 =	vlt.s32 v63, $0xFFFF;
	vm13 =	vlt.s32 v59, $0xFFFF;
	v60 =	vld [tilespmem:s4+$0xFFFFFF90]  }
0x1e3: {  	v54 =	vcvt.s32.f32 v38;
	v26 =	vmul.f32 v41, v26;
	v41 =	vnsel vm13, $0xFFFF, v59;
	v48 =	vld.idx.msk [tilespmem:v48+s6+$0x0], $0xffff  }
0x1e4: {  	v23 =	vadd.f32 v23, v47;
	v53 =	vadd.f32 v14, v58;
	v34 =	vld.idx.msk [tilespmem:v34+s6+$0x0], $0xffff;
	v25 =	vnsel vm15, $0xFFFF, v63  }
0x1e5: {  	[tilespmem:s18+$0x70] =	vst v2;
	v50 =	vadd.f32 v42, v40;
	v19 =	vsub.f32 v19, v54;
	v28 =	vld.idx.msk [tilespmem:v28+s6+$0x0], $0xffff  }
0x1e6: {  	[tilespmem:s18+$0xFFFFFF80] =	vst v12;
	v31 =	vld.idx.msk [tilespmem:v31+s6+$0x0], $0xffff;
	v32 =	vsub.f32 v49, v36;
	v29 =	vsub.f32 v29, v30  }
0x1e7: {  	[tilespmem:s18+$0x10] =	vst v8;
	v38 =	vld.idx.msk [tilespmem:v38+s6+$0x0], $0xffff;
	v4 =	vmul.f32 $2.999999930e-02, v62;
	v14 =	vsub.f32 v51, v22;
	v8 =	vmul.f32 $2.999999930e-02, v60  }
0x1e8: {  	v41 =	vld.idx.msk [tilespmem:v41+s6+$0x0], $0xffff;
	v52 =	vsub.f32 v48, v35;
	v32 =	vmul.f32 v32, v46;
	v2 =	vmul.f32 v29, v45  }
0x1e9: {  	v26 =	vadd.f32 v26, v39;
	v25 =	vld.idx.msk [tilespmem:v25+s6+$0x0], $0xffff;
	v12 =	vmul.f32 v14, v33;
	v33 =	vmul.f32 v21, v61  }
0x1ea: {  	v11 =	vld [tilespmem:s4+$0xFFFFFFB0];
	v42 =	vmul.f32 v52, v44;
	v14 =	vsub.f32 v28, v34;
	v59 =	vadd.f32 v32, v36  }
0x1eb: {  	v57 =	vld [tilespmem:s4+$0xFFFFFF80];
	v28 =	vmul.f32 v24, v61;
	v45 =	vadd.f32 v2, v30;
	v5 =	vadd.f32 v12, v22  }
0x1ec: {  	[tilespmem:s18+$0xFFFFFF90] =	vst v13;
	v21 =	vld [tilespmem:s4+$0x30];
	v2 =	vadd.f32 v9, v58;
	v36 =	vmul.f32 v0, v61;
	v30 =	vmul.f32 v50, v61  }
0x1ed: {  	[tilespmem:s18+$0xFFFFFFB0] =	vst v16;
	v24 =	vld [tilespmem:s4+$0x40];
	v54 =	vadd.f32 v42, v35;
	v29 =	vsub.f32 v41, v31;
	v16 =	vmul.f32 v14, v37  }
0x1ee: {  	[tilespmem:s18+$0xFFFFFFA0] =	vst v15;
	v12 =	vld [tilespmem:s4+$0xFFFFFFD0];
	v15 =	vsub.f32 v25, v38;
	v37 =	vmul.f32 v23, v61;
	v35 =	vmul.f32 v1, v61  }
0x1ef: {  	[tilespmem:s18+$0xFFFFFFE0] =	vst v10;
	v1 =	vadd.f32 v56, v58;
	v13 =	vmul.f32 v29, v20;
	v20 =	vadd.f32 v18, v58;
	v18 =	vld [tilespmem:s4+$0xFFFFFFE0]  }
0x1f0: {  	s10 =	sadd.s32 s0, s7;
	[tilespmem:s18+$0xFFFFFFC0] =	vst v53;
	v25 =	vmul.f32 v59, v61;
	v22 =	vmul.f32 v45, v61;
	v63 =	vadd.f32 v16, v34;
	v16 =	vld [tilespmem:s4+$0xFFFFFFF0]  }
0x1f1: {  	s9 =	sadd.s32 $0x1, s10;
	v23 =	vmul.f32 v5, v61;
	v15 =	vmul.f32 v15, v19;
	v19 =	vld [tilespmem:s4+$0x10];
	[tilespmem:s18+$0x0] =	vst v1;
	v1 =	vadd.f32 v7, v58  }
0x1f2: {  	s17 =	simm.s32 $0x12980;
	s8 =	sshll.u32 s9, $0xB;
	[tilespmem:s18+$0xFFFFFFF0] =	vst v2;
	v34 =	vmul.f32 v27, v61;
	v29 =	vmul.f32 v26, v61;
	v26 =	vld [tilespmem:s4+$0x50];
	v31 =	vadd.f32 v13, v31  }
0x1f3: {  	s11 =	sshll.u32 s9, $0x8;
	s9 =	sshll.u32 s9, $0x1;
	s8 =	sand.u32 $0x3800, s8;
	v32 =	vmul.f32 v54, v61;
	v13 =	vld [tilespmem:s4+$0xFFFFFFC0];
	v0 =	vadd.f32 v15, v38;
	[tilespmem:s18+$0x20] =	vst v1;
	v1 =	vadd.f32 v55, v58  }
0x1f4: {  	s10 =	sand.u32 $0xFFFC000, s11;
	s9 =	sand.u32 $0x70, s9;
	v7 =	vmul.f32 $2.999999930e-02, v57;
	v27 =	vld [tilespmem:s4+$0x60];
	[tilespmem:s17+$0x70] =	vst v20;
	v15 =	vmul.f32 v63, v61  }
0x1f5: {  	s11 =	simm.s32 $0x10A80;
	s8 =	sor.u32 s10, s8;
	s10 =	simm.s32 $0x100;
	v3 =	vadd.f32 v3, v58;
	v20 =	vld [tilespmem:s4+$0x20];
	v31 =	vmul.f32 v31, v61;
	v10 =	vmul.f32 v0, v61;
	[tilespmem:s18+$0x40] =	vst v1  }
.LBB2_5:
0x1f6: {  	_ =	sdelay $0x1  }
0x1f7: {  	v0 =	vld [tilespmem:s11+$0x70];
	v5 =	vmul.f32 $2.999999930e-02, v13  }
0x1f8: {  	v9 =	vmul.f32 $2.999999930e-02, v17;
	v13 =	vld [tilespmem:s11+$0xFFFFFFB0];
	v14 =	vmul.f32 $2.999999930e-02, v19;
	v1 =	vadd.f32 v37, v7  }
0x1f9: {  	v17 =	vld [tilespmem:s11+$0xFFFFFFC0];
	v33 =	vadd.f32 v33, v5;
	v5 =	vmul.f32 $2.999999930e-02, v21;
	v2 =	vmul.f32 $2.999999930e-02, v11  }
0x1fa: {  	[tilespmem:s18+$0x50] =	vst v6;
	v6 =	vld [tilespmem:s11+$0xFFFFFF90];
	v11 =	vadd.f32 v36, v8;
	v7 =	vmul.f32 $2.999999930e-02, v12;
	v8 =	vmul.f32 $2.999999930e-02, v18  }
0x1fb: {  	[tilespmem:s18+$0x60] =	vst v3;
	v3 =	vld [tilespmem:s11+$0xFFFFFFA0];
	v12 =	vadd.f32 v35, v4;
	v4 =	vmul.f32 $2.999999930e-02, v16;
	v16 =	vmul.f32 $2.999999930e-02, v20  }
0x1fc: {  	v53 =	vmul.f32 $2.999999930e-02, v24;
	v55 =	vmul.f32 $2.999999930e-02, v26  }
0x1fd: {  	v47 =	vld [tilespmem:s11+$0xFFFFFF80];
	v56 =	vmul.f32 $2.999999930e-02, v27;
	v0 =	vmul.f32 $6.553500000e+04, v0  }
0x1fe: {  	v44 =	vld [tilespmem:s11+$0x50];
	v1 =	vadd.f32 v1, v58;
	v27 =	vmul.f32 $6.553500000e+04, v13;
	v24 =	vmul.f32 $6.553500000e+04, v17  }
0x1ff: {  	v18 =	vld [tilespmem:s11+$0xFFFFFFD0];
	v2 =	vadd.f32 v34, v2;
	v54 =	vadd.f32 v28, v7;
	v28 =	vmul.f32 $6.553500000e+04, v6  }
0x200: {  	v17 =	vld [tilespmem:s11+$0x20];
	v29 =	vadd.f32 v29, v8;
	v26 =	vmul.f32 $6.553500000e+04, v3;
	v3 =	vtrunc.f32 v0  }
0x201: {  	[tilespmem:s17+$0xFFFFFF80] =	vst v1;
	v6 =	vld [tilespmem:s11+$0xFFFFFFE0];
	v1 =	vadd.f32 v12, v58;
	v38 =	vtrunc.f32 v27;
	v40 =	vtrunc.f32 v24  }
0x202: {  	v7 =	vld [tilespmem:s11+$0xFFFFFFF0];
	v13 =	vcvt.f32.s32 v3;
	v3 =	vadd.f32 v32, v9;
	v57 =	vtrunc.f32 v28  }
0x203: {  	v41 =	vld [tilespmem:s11+$0x40];
	v2 =	vadd.f32 v2, v58;
	[tilespmem:s17+$0xFFFFFFA0] =	vst v1;
	v1 =	vadd.f32 v33, v58;
	v52 =	vcvt.f32.s32 v38  }
0x204: {  	v8 =	vld [tilespmem:s11+$0x0];
	v18 =	vmul.f32 $6.553500000e+04, v18;
	v49 =	vcvt.f32.s32 v57;
	[tilespmem:$0x1FE40] =	vst v3;
	v3 =	vadd.f32 v25, v14  }
0x205: {  	v14 =	vtrunc.f32 v26;
	v21 =	vadd.s32 $0x1, v13;
	v25 =	vmul.f32 $6.553500000e+04, v17  }
0x206: {  	v9 =	vld [tilespmem:s11+$0x10];
	v17 =	vmul.f32 $6.553500000e+04, v44;
	[tilespmem:s17+$0xFFFFFFC0] =	vst v1;
	v1 =	vadd.f32 v54, v58;
	v54 =	vcvt.f32.s32 v40  }
0x207: {  	v39 =	vld [tilespmem:s11+$0x30];
	v19 =	vmul.f32 $6.553500000e+04, v6;
	vm0 =	vlt.s32 v21, $0xFFFF;
	v20 =	vmul.f32 $6.553500000e+04, v7  }
0x208: {  	v43 =	vtrunc.f32 v18;
	v50 =	vcvt.f32.s32 v14;
	v42 =	vnsel vm0, $0xFFFF, v21  }
0x209: {  	[tilespmem:$0x1FE50] =	vst v3;
	v21 =	vmul.f32 $6.553500000e+04, v8;
	v3 =	vadd.f32 v22, v16;
	v16 =	vmul.f32 $6.553500000e+04, v41  }
0x20a: {  	s4 =	sadd.s32 $0x100, s4;
	v63 =	vtrunc.f32 v25;
	v44 =	vtrunc.f32 v17  }
0x20b: {  	v30 =	vadd.f32 v30, v4;
	[tilespmem:s17+$0xFFFFFFB0] =	vst v2;
	v14 =	vld [tilespmem:s4+$0x70];
	v46 =	vtrunc.f32 v19;
	v22 =	vmul.f32 $6.553500000e+04, v9  }
0x20c: {  	v45 =	vld [tilespmem:s11+$0x60];
	v48 =	vtrunc.f32 v20;
	[tilespmem:$0x1FE60] =	vst v3;
	v3 =	vadd.f32 v23, v5;
	v23 =	vmul.f32 $6.553500000e+04, v39  }
0x20d: {  	[tilespmem:s17+$0xFFFFFFD0] =	vst v1;
	v1 =	vld [tilespmem:s4+$0xFFFFFFA0];
	v4 =	vcvt.f32.s32 v46;
	v48 =	vcvt.f32.s32 v48;
	v46 =	vadd.s32 $0x1, v52  }
0x20e: {  	v34 =	vld.idx.msk [tilespmem:v52+s6+$0x0], $0xffff;
	v52 =	vcvt.s32.f32 v52;
	v36 =	vtrunc.f32 v22;
	vm3 =	vlt.s32 v46, $0xFFFF  }
0x20f: {  	v2 =	vld [tilespmem:s4+$0xFFFFFF80];
	[tilespmem:$0x1FE70] =	vst v3;
	v3 =	vadd.f32 v31, v53;
	v31 =	vtrunc.f32 v21;
	v60 =	vtrunc.f32 v23  }
0x210: {  	v8 =	vld [tilespmem:s4+$0xFFFFFFD0];
	v53 =	vadd.s32 $0x1, v49;
	v57 =	vcvt.f32.s32 v36;
	v14 =	vmul.f32 $2.999999930e-02, v14  }
0x211: {  	v46 =	vnsel vm3, $0xFFFF, v46;
	v27 =	vsub.f32 v27, v52;
	v62 =	vld.idx.msk [tilespmem:v42+s6+$0x0], $0xffff;
	v42 =	vtrunc.f32 v16  }
0x212: {  	v59 =	vld.idx.msk [tilespmem:v13+s6+$0x0], $0xffff;
	v60 =	vcvt.f32.s32 v60;
	[tilespmem:$0x1FEA0] =	vst v3;
	v3 =	vadd.f32 v15, v55;
	v15 =	vmul.f32 $6.553500000e+04, v45  }
0x213: {  	[tilespmem:$0x1FEE0] =	vst v1;
	v1 =	vld [tilespmem:s4+$0xFFFFFFB0];
	v45 =	vmul.f32 $6.553500000e+04, v47;
	v55 =	vcvt.f32.s32 v43;
	v43 =	vadd.s32 $0x1, v50  }
0x214: {  	v33 =	vld.idx.msk [tilespmem:v50+s6+$0x0], $0xffff;
	v9 =	vadd.s32 $0x1, v57;
	v50 =	vcvt.s32.f32 v50;
	v12 =	vadd.s32 $0x1, v60  }
0x215: {  	v35 =	vld.idx.msk [tilespmem:v54+s6+$0x0], $0xffff;
	vm2 =	vlt.s32 v43, $0xFFFF;
	vm9 =	vlt.s32 v9, $0xFFFF;
	[tilespmem:$0x1FEC0] =	vst v3;
	v3 =	vadd.f32 v10, v56  }
0x216: {  	[tilespmem:$0x1FE90] =	vst v8;
	v8 =	vld [tilespmem:$0x1FFF0];
	v10 =	vadd.f32 v11, v58;
	v11 =	vcvt.s32.f32 v13;
	v13 =	vtrunc.f32 v15  }
0x217: {  	v56 =	vcvt.f32.s32 v31;
	v58 =	vadd.s32 $0x1, v54;
	v37 =	vld.idx.msk [tilespmem:v4+s6+$0x0], $0xffff;
	vm11 =	vlt.s32 v12, $0xFFFF  }
0x218: {  	v7 =	vld.idx.msk [tilespmem:v48+s6+$0x0], $0xffff;
	v9 =	vnsel vm9, $0xFFFF, v9;
	v26 =	vsub.f32 v26, v50;
	v50 =	vcvt.s32.f32 v60;
	[tilespmem:s17+$0xFFFFFF90] =	vst v10  }
0x219: {  	vm4 =	vlt.s32 v58, $0xFFFF;
	v12 =	vnsel vm11, $0xFFFF, v12;
	v10 =	vtrunc.f32 v45;
	[tilespmem:$0x1FE80] =	vst v1;
	v1 =	vld [tilespmem:$0x1FFF0]  }
0x21a: {  	[tilespmem:$0x1FEB0] =	vst v2;
	v0 =	vsub.f32 v0, v11;
	v11 =	vsub.f32 v62, v59;
	v62 =	vcvt.f32.s32 v44;
	v40 =	vld.idx.msk [tilespmem:v57+s6+$0x0], $0xffff  }
0x21b: {  	[tilespmem:$0x1FEF0] =	vst v3;
	v5 =	vadd.s32 $0x1, v56;
	v3 =	vnsel vm4, $0xFFFF, v58;
	v47 =	vcvt.f32.s32 v10;
	v2 =	vld [tilespmem:s4+$0xFFFFFF90]  }
0x21c: {  	v32 =	vld.idx.msk [tilespmem:v49+s6+$0x0], $0xffff;
	vm8 =	vlt.s32 v5, $0xFFFF;
	v49 =	vcvt.s32.f32 v49;
	v0 =	vmul.f32 v11, v0  }
0x21d: {  	v29 =	vadd.f32 v29, v8;
	v8 =	vld [tilespmem:$0x1FFF0];
	v44 =	vadd.s32 $0x1, v62;
	v5 =	vnsel vm8, $0xFFFF, v5  }
0x21e: {  	s18 =	smov.u32 s17;
	v36 =	vld.idx.msk [tilespmem:v55+s6+$0x0], $0xffff;
	v51 =	vadd.s32 $0x1, v47;
	vm13 =	vlt.s32 v44, $0xFFFF;
	v0 =	vadd.f32 v0, v59  }
0x21f: {  	[tilespmem:s18+$0xFFFFFFE0] =	vst v29;
	v28 =	vsub.f32 v28, v49;
	v29 =	vld.idx.msk [tilespmem:v46+s6+$0x0], $0xffff;
	v46 =	vcvt.s32.f32 v48;
	v59 =	vcvt.f32.s32 v63  }
0x220: {  	v9 =	vld.idx.msk [tilespmem:v9+s6+$0x0], $0xffff;
	v63 =	vadd.s32 $0x1, v4;
	vm0 =	vlt.s32 v51, $0xFFFF;
	v0 =	vmul.f32 v0, v61  }
0x221: {  	v39 =	vld.idx.msk [tilespmem:v56+s6+$0x0], $0xffff;
	v44 =	vnsel vm13, $0xFFFF, v44;
	v4 =	vcvt.s32.f32 v4;
	vm6 =	vlt.s32 v63, $0xFFFF  }
0x222: {  	v12 =	vld.idx.msk [tilespmem:v12+s6+$0x0], $0xffff;
	[tilespmem:$0x1FED0] =	vst v2;
	v61 =	vcvt.f32.s32 v42;
	v2 =	vcvt.f32.s32 v13;
	v0 =	vadd.f32 v0, v14  }
0x223: {  	v13 =	vadd.s32 $0x1, v48;
	v11 =	vadd.s32 $0x1, v59;
	v42 =	vld.idx.msk [tilespmem:v60+s6+$0x0], $0xffff;
	v63 =	vnsel vm6, $0xFFFF, v63  }
0x224: {  	v58 =	vld.idx.msk [tilespmem:v62+s6+$0x0], $0xffff;
	v30 =	vadd.f32 v30, v8;
	vm7 =	vlt.s32 v13, $0xFFFF;
	v0 =	vadd.f32 v0, v1  }
0x225: {  	s17 =	sadd.s32 $0x100, s17;
	v48 =	vcvt.s32.f32 v57;
	v49 =	vcvt.s32.f32 v59;
	v31 =	vld.idx.msk [tilespmem:v47+s6+$0x0], $0xffff;
	v13 =	vnsel vm7, $0xFFFF, v13  }
0x226: {  	vm10 =	vlt.s32 v11, $0xFFFF;
	v5 =	vld.idx.msk [tilespmem:v5+s6+$0x0], $0xffff;
	v29 =	vsub.f32 v29, v34;
	[tilespmem:s17+$0x70] =	vst v0;
	v0 =	vnsel vm0, $0xFFFF, v51  }
0x227: {  	v62 =	vcvt.s32.f32 v62;
	v11 =	vnsel vm10, $0xFFFF, v11;
	v1 =	vadd.s32 $0x1, v2;
	v41 =	vld.idx.msk [tilespmem:v59+s6+$0x0], $0xffff  }
0x228: {  	v4 =	vsub.f32 v19, v4;
	v27 =	vmul.f32 v29, v27;
	v29 =	vld.idx.msk [tilespmem:v44+s6+$0x0], $0xffff;
	vm14 =	vlt.s32 v1, $0xFFFF  }
0x229: {  	v19 =	vsub.f32 v20, v46;
	v47 =	vcvt.s32.f32 v47;
	[tilespmem:s18+$0xFFFFFFF0] =	vst v30;
	v52 =	vld.idx.msk [tilespmem:v63+s6+$0x0], $0xffff;
	v1 =	vnsel vm14, $0xFFFF, v1  }
0x22a: {  	v30 =	vcvt.s32.f32 v56;
	v22 =	vsub.f32 v22, v48;
	v51 =	vnsel vm2, $0xFFFF, v43;
	v13 =	vld.idx.msk [tilespmem:v13+s6+$0x0], $0xffff  }
0x22b: {  	v14 =	vadd.s32 $0x1, v55;
	v25 =	vsub.f32 v25, v49;
	v9 =	vsub.f32 v9, v40;
	v0 =	vld.idx.msk [tilespmem:v0+s6+$0x0], $0xffff  }
0x22c: {  	v38 =	vadd.s32 $0x1, v61;
	v20 =	vsub.f32 v21, v30;
	v5 =	vsub.f32 v5, v39;
	v11 =	vld.idx.msk [tilespmem:v11+s6+$0x0], $0xffff  }
0x22d: {  	v45 =	vsub.f32 v45, v47;
	v30 =	vsub.f32 v17, v62;
	v6 =	vld.idx.msk [tilespmem:v2+s6+$0x0], $0xffff;
	v2 =	vcvt.s32.f32 v2  }
0x22e: {  	v9 =	vmul.f32 v9, v22;
	v12 =	vsub.f32 v12, v42;
	v5 =	vmul.f32 v5, v20;
	v1 =	vld.idx.msk [tilespmem:v1+s6+$0x0], $0xffff  }
0x22f: {  	v2 =	vsub.f32 v15, v2;
	v21 =	vsub.f32 v52, v37;
	v47 =	vld.idx.msk [tilespmem:v51+s6+$0x0], $0xffff;
	v51 =	vcvt.s32.f32 v54  }
0x230: {  	v43 =	vld.idx.msk [tilespmem:v61+s6+$0x0], $0xffff;
	v54 =	vcvt.s32.f32 v55;
	v13 =	vsub.f32 v13, v7;
	v0 =	vsub.f32 v0, v31  }
0x231: {  	v55 =	vcvt.s32.f32 v61;
	v61 =	vld [tilespmem:$0x1FFE0];
	v4 =	vmul.f32 v21, v4;
	v11 =	vsub.f32 v11, v41  }
0x232: {  	v21 =	vsub.f32 v23, v50;
	v13 =	vmul.f32 v13, v19;
	v0 =	vmul.f32 v0, v45  }
0x233: {  	v11 =	vmul.f32 v11, v25;
	v25 =	vsub.f32 v29, v58;
	v1 =	vsub.f32 v1, v6  }
0x234: {  	v12 =	vmul.f32 v12, v21;
	v4 =	vadd.f32 v4, v37;
	v0 =	vadd.f32 v0, v31  }
0x235: {  	v25 =	vmul.f32 v25, v30;
	v1 =	vmul.f32 v1, v2;
	v2 =	vadd.f32 v5, v39  }
0x236: {  	v5 =	vadd.f32 v9, v40;
	v37 =	vmul.f32 v0, v61;
	v0 =	vadd.f32 v13, v7  }
0x237: {  	v9 =	vadd.f32 v12, v42;
	v12 =	vadd.f32 v25, v58;
	v58 =	vld [tilespmem:$0x1FFF0]  }
0x238: {  	v30 =	vmul.f32 v0, v61;
	v0 =	vld [tilespmem:$0x1FE50];
	_ =	sdelay $0x4  }
0x239: {  	vm1 =	vlt.s32 v53, $0xFFFF;
	v0 =	vadd.f32 v0, v58  }
0x23a: {  	v53 =	vnsel vm1, $0xFFFF, v53;
	v19 =	vld [tilespmem:s4+$0x10]  }
0x23b: {  	[tilespmem:s18+$0x10] =	vst v0;
	v0 =	vld [tilespmem:$0x1FE70];
	_ =	sdelay $0x1  }
0x23c: {  	v3 =	vld.idx.msk [tilespmem:v3+s6+$0x0], $0xffff;
	_ =	sdelay $0x1  }
0x23d: {  	v53 =	vld.idx.msk [tilespmem:v53+s6+$0x0], $0xffff  }
0x23e: {  	vm5 =	vlt.s32 v14, $0xFFFF;
	v0 =	vadd.f32 v0, v58  }
0x23f: {  	v14 =	vnsel vm5, $0xFFFF, v14;
	v21 =	vld [tilespmem:s4+$0x30]  }
0x240: {  	v3 =	vsub.f32 v3, v35;
	v24 =	vsub.f32 v24, v51;
	[tilespmem:s18+$0x30] =	vst v0;
	v0 =	vld [tilespmem:$0x1FEC0];
	_ =	sdelay $0x1  }
0x241: {  	v10 =	vld [tilespmem:s4+$0xFFFFFFC0];
	v53 =	vsub.f32 v53, v32;
	vm12 =	vlt.s32 v38, $0xFFFF;
	v3 =	vmul.f32 v3, v24  }
0x242: {  	v38 =	vnsel vm12, $0xFFFF, v38;
	v17 =	vld [tilespmem:s4+$0x0];
	v63 =	vsub.f32 v47, v33  }
0x243: {  	v28 =	vmul.f32 v53, v28;
	v14 =	vld.idx.msk [tilespmem:v14+s6+$0x0], $0xffff;
	v3 =	vadd.f32 v3, v35  }
0x244: {  	v26 =	vmul.f32 v63, v26;
	v1 =	vadd.f32 v1, v6;
	v6 =	vadd.f32 v0, v58;
	v0 =	vld [tilespmem:$0x1FED0]  }
0x245: {  	v22 =	vadd.f32 v28, v32;
	v32 =	vmul.f32 v2, v61;
	v2 =	vld [tilespmem:$0x1FE60]  }
0x246: {  	v28 =	vadd.f32 v26, v33;
	v33 =	vmul.f32 v3, v61;
	v3 =	vld [tilespmem:$0x1FE40]  }
0x247: {  	v24 =	vld.idx.msk [tilespmem:v38+s6+$0x0], $0xffff  }
0x248: {  	v20 =	vld [tilespmem:s4+$0x20]  }
0x249: {  	v18 =	vsub.f32 v18, v54;
	v14 =	vsub.f32 v14, v36;
	v8 =	vmul.f32 $2.999999930e-02, v0;
	v0 =	vld [tilespmem:$0x1FEE0]  }
0x24a: {  	v23 =	vsub.f32 v16, v55;
	v16 =	vld [tilespmem:s4+$0xFFFFFFF0];
	v2 =	vadd.f32 v2, v58  }
0x24b: {  	v14 =	vmul.f32 v14, v18;
	v18 =	vld [tilespmem:s4+$0xFFFFFFE0];
	v3 =	vadd.f32 v3, v58  }
0x24c: {  	v29 =	vmul.f32 v4, v61;
	v15 =	vsub.f32 v24, v43;
	[tilespmem:s18+$0x20] =	vst v2;
	v2 =	vld [tilespmem:$0x1FEA0]  }
0x24d: {  	s10 =	sadd.s32 $0x100, s10;
	v14 =	vadd.f32 v14, v36;
	v36 =	vmul.f32 v22, v61;
	v25 =	vmul.f32 v5, v61;
	[tilespmem:s18+$0x0] =	vst v3;
	v3 =	vld [tilespmem:$0x1FEB0]  }
0x24e: {  	p0 =	slt.u32 s10, $0x700;
	v15 =	vmul.f32 v15, v23;
	v4 =	vmul.f32 $2.999999930e-02, v0;
	v0 =	vld [tilespmem:$0x1FEF0]  }
.Ltmp3:
0x24f: {  	v24 =	vld [tilespmem:s4+$0x40];
	v23 =	vadd.f32 v27, v34;
	v7 =	vadd.f32 v11, v41;
	v35 =	vmul.f32 v28, v61;
	(pc) =	sbr.rel @p0 .LBB2_5-.Ltmp3, $4  }
0x250: {  	v26 =	vld [tilespmem:s4+$0x50];
	v13 =	vmovc v10;
	v28 =	vmul.f32 v14, v61;
	v10 =	vmul.f32 v1, v61;
	v11 =	vadd.f32 v15, v43  }
0x251: {  	v27 =	vld [tilespmem:s4+$0x60];
	v34 =	vmul.f32 v23, v61;
	v22 =	vmul.f32 v7, v61;
	v2 =	vadd.f32 v2, v58  }
0x252: {  	v23 =	vmul.f32 v9, v61;
	v15 =	vmul.f32 v12, v61;
	v12 =	vld [tilespmem:$0x1FE90]  }
0x253: {  	s11 =	sadd.s32 $0x100, s11;
	v31 =	vmul.f32 v11, v61;
	v11 =	vld [tilespmem:$0x1FE80];
	v7 =	vmul.f32 $2.999999930e-02, v3;
	[tilespmem:s18+$0x40] =	vst v2;
	v3 =	vadd.f32 v0, v58  }
0x254: {  	v2 =	vadd.f32 v36, v8  }
0x255: {  	v5 =	vmul.f32 $2.999999930e-02, v13;
	v4 =	vadd.f32 v35, v4  }
0x256: {  	[tilespmem:s18+$0x50] =	vst v6;
	v40 =	vmul.f32 $2.999999930e-02, v18;
	v0 =	vadd.f32 v37, v7;
	v2 =	vadd.f32 v2, v58  }
0x257: {  	v42 =	vmul.f32 $2.999999930e-02, v16;
	[tilespmem:s18+$0x60] =	vst v3;
	v5 =	vadd.f32 v33, v5;
	v41 =	vadd.f32 v4, v58  }
0x258: {  	v43 =	vmul.f32 $2.999999930e-02, v17;
	v3 =	vadd.f32 v29, v40;
	v0 =	vadd.f32 v0, v58;
	[tilespmem:s17+$0xFFFFFF90] =	vst v2  }
0x259: {  	v45 =	vmul.f32 $2.999999930e-02, v19;
	v4 =	vadd.f32 v30, v42;
	[tilespmem:s17+$0xFFFFFFA0] =	vst v41;
	v44 =	vadd.f32 v5, v58  }
0x25a: {  	v49 =	vmul.f32 $2.999999930e-02, v21;
	v2 =	vadd.f32 v32, v43;
	v48 =	vadd.f32 v3, v58;
	[tilespmem:s17+$0xFFFFFF80] =	vst v0  }
0x25b: {  	v51 =	vmul.f32 $2.999999930e-02, v24;
	v5 =	vadd.f32 v25, v45;
	v50 =	vadd.f32 v4, v58;
	[tilespmem:s17+$0xFFFFFFC0] =	vst v44  }
0x25c: {  	v55 =	vmul.f32 $2.999999930e-02, v27;
	v3 =	vadd.f32 v23, v49;
	[tilespmem:s17+$0xFFFFFFE0] =	vst v48;
	v52 =	vadd.f32 v2, v58  }
0x25d: {  	v39 =	vmul.f32 $2.999999930e-02, v12;
	v4 =	vadd.f32 v31, v51;
	[tilespmem:s17+$0xFFFFFFF0] =	vst v50;
	v54 =	vadd.f32 v5, v58  }
0x25e: {  	v1 =	vmul.f32 $2.999999930e-02, v11;
	v59 =	vadd.f32 v10, v55;
	v57 =	vadd.f32 v3, v58;
	[tilespmem:s17+$0x0] =	vst v52  }
0x25f: {  	v53 =	vmul.f32 $2.999999930e-02, v26;
	v6 =	vadd.f32 v28, v39;
	v60 =	vadd.f32 v4, v58;
	[tilespmem:s17+$0x10] =	vst v54  }
0x260: {  	v47 =	vmul.f32 $2.999999930e-02, v20;
	v1 =	vadd.f32 v34, v1;
	v63 =	vadd.f32 v59, v58;
	[tilespmem:s17+$0x30] =	vst v57  }
0x261: {  	v2 =	vadd.f32 v15, v53;
	v46 =	vadd.f32 v6, v58;
	[tilespmem:s17+$0x40] =	vst v60  }
0x262: {  	v6 =	vadd.f32 v22, v47;
	v1 =	vadd.f32 v1, v58;
	[tilespmem:s17+$0x60] =	vst v63  }
.Ltmp4:
0x263: {  	v62 =	vadd.f32 v2, v58;
	[tilespmem:s17+$0xFFFFFFD0] =	vst v46;
	(pc) =	sbr.rel @p1 .LBB2_8-.Ltmp4, $4  }
0x264: {  	v56 =	vadd.f32 v6, v58;
	[tilespmem:s17+$0xFFFFFFB0] =	vst v1  }
0x265: {  	s4 =	sadd.s32 s5, s9;
	[tilespmem:s17+$0x50] =	vst v62  }
0x266: {  	s4 =	sadd.s32 s8, s4;
	[tilespmem:s17+$0x20] =	vst v56  }
0x267: {  	[hbm4b:s4+s15] =	stream.strided.scatter [tilespmem:s28], [sflag:$0x7], $0x800, s16, s15, $0x38;
	[tilespmem:$0x13000] =	vst v63  }
0x268: {  	s0 =	sadd.s32 s0, s13  }
0x269: {  	s4 =	sshll.u32 s0, $0x8;
	s8 =	sshll.u32 s0, $0xB  }
0x26a: {  	s0 =	sshll.u32 s0, $0x1;
	s4 =	sand.u32 $0xFFFC000, s4;
	s8 =	sand.u32 $0x3800, s8  }
0x26b: {  	s0 =	sand.u32 $0x70, s0;
	s4 =	sor.u32 s8, s4  }
.Ltmp5:
0x26c: {  	s0 =	sor.u32 s0, s4;
	(pc) =	sbr.rel .LBB2_2-.Ltmp5, $4  }
0x26d: {  	s4 =	sadd.s32 s1, s0  }
0x26e: {  	[tilespmem:s19], [sflag:$0x3] =	stream.strided.gather [hbm4b:s4+s15], $0x800, s16, s15, $0x38;
	[tilespmem:$0x13000] =	vst v63  }
0x26f: {  	s3 =	sadd.s32 $0x1, s3;
	s0 =	sadd.s32 s2, s0  }
0x270: {  	[tilespmem:s20], [sflag:$0x5] =	stream.strided.gather [hbm4b:s0+s15], $0x800, s16, s15, $0x38;
	[tilespmem:$0x13000] =	vst v63  }
.LBB2_9:
0x271: {  	_ =	sfence.sel $0x180000  }
0x272: {  	[bflag:$0x0] =	sbarrier.arrive $0xFFFF  }
0x273: {  	_ =	strace $0x90000047  }
0x274: {  	s0 =	stileid.u32;
	[bflag:$0x2] =	sbarrier.arrive $0xFFFF  }
0x275: {  	p0 =	sne.s32 s0, $0x0;
	s0 =	rddreg [dreg:$0x4]  }
0x276: {  	s0 =	sadd.s32 @!p0 $0x100000, s0  }
0x277: {  	[sflag:s0] =	ssyncadd.tile.s32 @!p0 $0x1;
	_ =	shalt  }
.Lfunc_end2:
_tile_overlayer_lowered:
.L_overlay_start_2:
0x278: {  	(tag) =	ssettag $0x2  }
0x279: {  	s0 =	rddreg [dreg:$0x0];
	s2 =	stileid.u32  }
0x27a: {  	s1 =	rddreg [dreg:$0x1];
	p0 =	sne.s32 s2, $0x0  }
0x27b: {  	s3 =	rddreg [dreg:$0x2];
	[bflag:$0x3] =	sbarrier.arrive $0xFFFF;
	s2 =	simm.s32 @!p0 $0x1C08  }
0x27c: {  	[timem:s3], [sflag:s2] =	dma.local @!p0 [hbm:s0], s1  }
0x27d: {  	s0 =	simm.s32 @!p0 $0x8  }
0x27e: {  	_ =	swait.ge @!p0 [sflag:s0], s1  }
0x27f: {  	s1 =	ssub.s32 @!p0 $0x0, s1;
	[sflag:s0] =	ssyncset.done @!p0 $0x0  }
0x280: {  	[sflag:s0] =	ssyncadd.s32 @!p0 s1  }
0x281: {  	[bflag:$0x3] =	sbarrier.arrive $0xFFFF  }
0x282: {  	_ =	shalt  }

</sc_bundles>
